<compile_context>
chip_gen: v7x
topology: tpu7x:2x2x1
jax: 0.10.2.dev20260603
libtpu: 0.0.44.dev20260713+nightly
codegen_flags: <defaults>
</compile_context>

<pallas_src>
import functools

import jax
import jax.numpy as jnp
from jax import lax
from jax.experimental import pallas as pl
from jax.experimental.pallas import tpu as pltpu
from jax.experimental.pallas import tpu_sc as plsc

N = 10000
E = 320000
D_IN = 128
H = 128
C = 10
G = 64
EPS = 1e-5

NC = 2
NS = 16
NW = NC * NS
K = 128
N_PAD = 10240
E_PAD = 327680
EPW = E_PAD // NW
NCH = EPW // K
RPT = N_PAD // NS
TOTCH = E_PAD // K
NCH0 = 80
NCH1 = 80
NCH_MAX = max(NCH0, NCH1)


def _sc_degree_body(dst_hbm, zeros_hbm, ones_hbm, degp_out, idst_all, ones_v,
                    acc):
    cid = lax.axis_index("c")
    sid = lax.axis_index("s")
    wid = sid * NC + cid
    pltpu.sync_copy(zeros_hbm, acc.at[pl.ds(sid * RPT, RPT)])
    pltpu.sync_copy(ones_hbm, ones_v)
    pltpu.sync_copy(dst_hbm.at[pl.ds(wid * NCH, NCH)], idst_all)
    plsc.subcore_barrier()

    def chunk(c, carry):
        pltpu.sync_copy(ones_v, acc.at[idst_all.at[c, 0]], add=True)
        return carry

    lax.fori_loop(0, NCH, chunk, 0)
    plsc.subcore_barrier()
    pltpu.sync_copy(acc.at[pl.ds(sid * RPT, RPT)],
                    degp_out.at[cid, pl.ds(sid * RPT, RPT)])


def _sc_aggregate_body(src_hbm, dst_hbm, y_hbm, zeros_hbm, aggp_out,
                       isrc_all, d0, d1, rows0, rows1, acc,
                       sem0, sem1, isem0, isem1):
    cid = lax.axis_index("c")
    sid = lax.axis_index("s")
    nch_me = jnp.where(cid == 0, NCH0, NCH1)
    off_me = jnp.where(cid == 0, sid * NCH0, NS * NCH0 + sid * NCH1)
    pltpu.sync_copy(zeros_hbm, acc.at[pl.ds(sid * RPT, RPT)])
    pltpu.sync_copy(src_hbm.at[pl.ds(off_me, NCH_MAX)], isrc_all)
    plsc.subcore_barrier()

    def gather(c, buf, sem):
        pltpu.async_copy(y_hbm.at[isrc_all.at[c, 0]], buf, sem)

    def gather_wait(c, buf, sem):
        pltpu.make_async_copy(y_hbm.at[isrc_all.at[c, 0]], buf, sem).wait()

    def dload(c, buf, sem):
        pltpu.async_copy(dst_hbm.at[pl.ds(off_me + c, 1), 0], buf, sem)

    def dload_wait(c, buf, sem):
        pltpu.make_async_copy(dst_hbm.at[pl.ds(off_me + c, 1), 0], buf,
                              sem).wait()

    dload(0, d0, isem0)
    dload(1, d1, isem1)
    gather(0, rows0, sem0)

    def pair(t, carry):
        c0 = 2 * t
        gather(c0 + 1, rows1, sem1)
        gather_wait(c0, rows0, sem0)
        dload_wait(c0, d0, isem0)
        pltpu.sync_copy(rows0, acc.at[d0.at[0]], add=True)
        dload(c0 + 2, d0, isem0)
        gather(c0 + 2, rows0, sem0)
        gather_wait(c0 + 1, rows1, sem1)
        dload_wait(c0 + 1, d1, isem1)
        pltpu.sync_copy(rows1, acc.at[d1.at[0]], add=True)
        dload(c0 + 3, d1, isem1)
        return carry

    lax.fori_loop(0, nch_me // 2 - 1, pair, 0)
    c0 = nch_me - 2
    gather(c0 + 1, rows1, sem1)
    gather_wait(c0, rows0, sem0)
    dload_wait(c0, d0, isem0)
    pltpu.sync_copy(rows0, acc.at[d0.at[0]], add=True)
    gather_wait(c0 + 1, rows1, sem1)
    dload_wait(c0 + 1, d1, isem1)
    pltpu.sync_copy(rows1, acc.at[d1.at[0]], add=True)

    plsc.subcore_barrier()
    pltpu.sync_copy(acc.at[pl.ds(sid * RPT, RPT)],
                    aggp_out.at[cid, pl.ds(sid * RPT, RPT)])


@functools.cache
def _sc_kernels():
    mesh = plsc.VectorSubcoreMesh(core_axis_name="c", subcore_axis_name="s",
                                  num_cores=NC, num_subcores=NS)
    sc_degree = pl.kernel(
        _sc_degree_body,
        out_type=jax.ShapeDtypeStruct((NC, N_PAD, H), jnp.float32),
        mesh=mesh,
        scratch_types=[
            pltpu.VMEM((NCH, 1, K), jnp.int32),
            pltpu.VMEM((K, H), jnp.float32),
            pltpu.VMEM_SHARED((N_PAD, H), jnp.float32),
        ],
    )
    sc_aggregate = pl.kernel(
        _sc_aggregate_body,
        out_type=jax.ShapeDtypeStruct((NC, N_PAD, H), jnp.float32),
        mesh=mesh,
        scratch_types=[
            pltpu.VMEM((NCH_MAX, 1, K), jnp.int32),
            pltpu.VMEM((1, K), jnp.int32),
            pltpu.VMEM((1, K), jnp.int32),
            pltpu.VMEM((K, H), jnp.float32),
            pltpu.VMEM((K, H), jnp.float32),
            pltpu.VMEM_SHARED((N_PAD, H), jnp.float32),
            pltpu.SemaphoreType.DMA,
            pltpu.SemaphoreType.DMA,
            pltpu.SemaphoreType.DMA,
            pltpu.SemaphoreType.DMA,
        ],
    )
    return sc_degree, sc_aggregate



def _dinv_from_partials(degp, rows):
    deg = degp[0, :rows, 0:1] + degp[1, :rows, 0:1] + 1.0
    return lax.rsqrt(jnp.maximum(deg, 1.0))


def _tc1_body(x_ref, w1_ref, degp_ref, y_ref):
    dinv = _dinv_from_partials(degp_ref[...], N)
    xw = jnp.dot(x_ref[...], w1_ref[...], preferred_element_type=jnp.float32)
    y_ref[0:N, :] = xw * dinv
    y_ref[N:N_PAD, :] = jnp.zeros((N_PAD - N, H), jnp.float32)


def _tc2_body(aggp_ref, y1_ref, degp_ref, b1_ref, g1_ref, be1_ref, w2_ref,
              y2_ref):
    dinv = _dinv_from_partials(degp_ref[...], N)
    agg = aggp_ref[0, 0:N, :] + aggp_ref[1, 0:N, :]
    h = (agg + y1_ref[0:N, :]) * dinv + b1_ref[...]
    m = jnp.mean(h, axis=0, keepdims=True)
    v = jnp.mean((h - m) * (h - m), axis=0, keepdims=True)
    h = (h - m) * lax.rsqrt(v + EPS) * g1_ref[...] + be1_ref[...]
    h = jnp.maximum(h, 0.0)
    xw2 = jnp.dot(h, w2_ref[...], preferred_element_type=jnp.float32)
    y2_ref[0:N, :] = xw2 * dinv
    y2_ref[N:N_PAD, :] = jnp.zeros((N_PAD - N, H), jnp.float32)


def _tc3_body(aggp_ref, y2_ref, degp_ref, b2_ref, g2_ref, be2_ref,
              batch_ref, wo_ref, bo_ref, out_ref):
    dinv = _dinv_from_partials(degp_ref[...], N)
    agg = aggp_ref[0, 0:N, :] + aggp_ref[1, 0:N, :]
    h = (agg + y2_ref[0:N, :]) * dinv + b2_ref[...]
    m = jnp.mean(h, axis=0, keepdims=True)
    v = jnp.mean((h - m) * (h - m), axis=0, keepdims=True)
    h = (h - m) * lax.rsqrt(v + EPS) * g2_ref[...] + be2_ref[...]
    h = jnp.maximum(h, 0.0)
    seg = lax.broadcasted_iota(jnp.int32, (G, N), 0)
    pt = (seg == batch_ref[...]).astype(jnp.float32)
    sums = jnp.dot(pt, h, preferred_element_type=jnp.float32)
    cnt = jnp.sum(pt, axis=1, keepdims=True)
    pooled = sums / jnp.maximum(cnt, 1.0)
    out_ref[...] = (
        jnp.dot(pooled, wo_ref[...], preferred_element_type=jnp.float32)
        + bo_ref[...])


def kernel(x, edge_index, batch, W1, b1, g1, be1, W2, b2, g2, be2, Wo, bo):
    i32 = jnp.int32
    pad_e = E_PAD - E
    pad_idx = N + jnp.arange(pad_e, dtype=i32) % (N_PAD - N)
    src = jnp.concatenate([edge_index[0], pad_idx])
    dst = jnp.concatenate([edge_index[1], pad_idx])
    pad_ch = jnp.full((NCH_MAX, 1, K), N, dtype=i32)
    src_f = jnp.concatenate([src.reshape(TOTCH, 1, K), pad_ch])
    dst_f = jnp.concatenate([dst.reshape(TOTCH, 1, K), pad_ch])
    ones_row = jnp.ones((K, H), jnp.float32)
    zrow = jnp.zeros((RPT, H), jnp.float32)
    b1r, g1r, be1r = b1.reshape(1, H), g1.reshape(1, H), be1.reshape(1, H)
    b2r, g2r, be2r = b2.reshape(1, H), g2.reshape(1, H), be2.reshape(1, H)
    bor = bo.reshape(1, C)
    batch_r = batch.reshape(1, N)

    sc_degree, sc_aggregate = _sc_kernels()
    degp = sc_degree(dst_f, zrow, ones_row)[:, :, 0:1]

    y1 = pl.pallas_call(
        _tc1_body,
        out_shape=jax.ShapeDtypeStruct((N_PAD, H), jnp.float32),
    )(x, W1, degp)

    aggp1 = sc_aggregate(src_f, dst_f, y1, zrow)

    y2 = pl.pallas_call(
        _tc2_body,
        out_shape=jax.ShapeDtypeStruct((N_PAD, H), jnp.float32),
    )(aggp1, y1, degp, b1r, g1r, be1r, W2)

    aggp2 = sc_aggregate(src_f, dst_f, y2, zrow)

    out = pl.pallas_call(
        _tc3_body,
        out_shape=jax.ShapeDtypeStruct((G, C), jnp.float32),
    )(aggp2, y2, degp, b2r, g2r, be2r, batch_r, Wo, bor)

    return out

# --- scband reference (transcript-rebuilt; emitter-appended) ---
"""Pipeline reference for scband-gcn-67396626809328 (READ-ONLY COPY).

The authoritative reference and input builder live on the scoring server;
editing this copy changes nothing except your own understanding.
"""

import jax, jax.numpy as jnp
import numpy as np

N = 10000
E = 320000
D_IN = 128
H = 128
C = 10
G = 64
EPS = 1e-5


def gcn_conv(x, edge_index, W, b):
    # GCNConv: linear transform, add self-loops, symmetric normalization, scatter-add
    xw = x @ W
    src = edge_index[0]
    dst = edge_index[1]
    loop = jnp.arange(xw.shape[0], dtype=src.dtype)
    src = jnp.concatenate([src, loop])
    dst = jnp.concatenate([dst, loop])
    deg = jnp.zeros((xw.shape[0],), xw.dtype).at[dst].add(1.0)
    dinv = jax.lax.rsqrt(jnp.maximum(deg, 1.0))
    norm = dinv[src] * dinv[dst]
    msg = xw[src] * norm[:, None]
    out = jnp.zeros_like(xw).at[dst].add(msg)
    return out + b


def batch_norm(x, gamma, beta):
    # BatchNorm1d in training mode: batch statistics
    mean = jnp.mean(x, axis=0)
    var = jnp.var(x, axis=0)
    return (x - mean) * jax.lax.rsqrt(var + EPS) * gamma + beta


def global_mean_pool(x, batch, num_graphs):
    s = jax.ops.segment_sum(x, batch, num_segments=num_graphs)
    cnt = jax.ops.segment_sum(jnp.ones((x.shape[0], 1), x.dtype), batch, num_segments=num_graphs)
    return s / jnp.maximum(cnt, 1.0)


def setup_inputs(seed: int = 0) -> dict:
    key = jax.random.key(seed)
    ks = jax.random.split(key, 16)
    x = jax.random.normal(ks[0], (N, D_IN), dtype=jnp.float32)
    edge_index = jax.random.randint(ks[1], (2, E), 0, N, dtype=jnp.int32)
    batch = jnp.sort(jax.random.randint(ks[2], (N,), 0, G, dtype=jnp.int32))
    s1 = 1.0 / np.sqrt(D_IN)
    s2 = 1.0 / np.sqrt(H)
    W1 = jax.random.uniform(ks[3], (D_IN, H), jnp.float32, -s1, s1)
    b1 = jnp.zeros((H,), jnp.float32)
    g1 = jnp.ones((H,), jnp.float32)
    be1 = jnp.zeros((H,), jnp.float32)
    W2 = jax.random.uniform(ks[4], (H, H), jnp.float32, -s2, s2)
    b2 = jnp.zeros((H,), jnp.float32)
    g2 = jnp.ones((H,), jnp.float32)
    be2 = jnp.zeros((H,), jnp.float32)
    Wo = jax.random.uniform(ks[5], (H, C), jnp.float32, -s2, s2)
    bo = jnp.zeros((C,), jnp.float32)
    return {"x": x, "edge_index": edge_index, "batch": batch,
            "W1": W1, "b1": b1, "g1": g1, "be1": be1,
            "W2": W2, "b2": b2, "g2": g2, "be2": be2,
            "Wo": Wo, "bo": bo}


def reference(x, edge_index, batch, W1, b1, g1, be1, W2, b2, g2, be2, Wo, bo):
    h = gcn_conv(x, edge_index, W1, b1)
    h = jax.nn.relu(batch_norm(h, g1, be1))
    h = gcn_conv(h, edge_index, W2, b2)
    h = jax.nn.relu(batch_norm(h, g2, be2))
    h = global_mean_pool(h, batch, G)
    return h @ Wo + bo

if __name__ == "__main__":
    import jax
    _d = setup_inputs()
    print(jax.jit(kernel)(*tuple(_d.values())))

</pallas_src>

<mosaic_0001>
#map = affine_map<(d0, d1) -> (0, 0, 0)>
#map1 = affine_map<(d0, d1) -> (0, 0)>
module attributes {stable_mosaic.version = 14 : i64} {
  func.func @_sc_degree_body(%arg0: i32, %arg1: i32, %arg2: memref<2640x1x128xi32, #tpu.memory_space<hbm>>, %arg3: memref<640x128xf32, #tpu.memory_space<hbm>>, %arg4: memref<128x128xf32, #tpu.memory_space<hbm>>, %arg5: memref<2x10240x128xf32, #tpu.memory_space<hbm>>, %arg6: memref<80x1x128xi32, #tpu.memory_space<vmem>>, %arg7: memref<128x128xf32, #tpu.memory_space<vmem>>, %arg8: memref<10240x128xf32, #tpu.memory_space<vmem_shared>>) attributes {dimension_semantics = [#tpu.dimension_semantics<core_parallel>, #tpu.dimension_semantics<subcore_parallel>], iteration_bounds = array<i64: 2, 16>, scalar_prefetch = 0 : i64, scratch_operands = 3 : i64, tpu.core_type = #tpu.core_type<sc_vector_subcore>, window_params = [{transform_indices = #map}, {transform_indices = #map1}, {transform_indices = #map1}, {transform_indices = #map}]} {
    %mul3A = arith.constant 2 : i32
    %mul3A_0 = arith.muli %arg1, %mul3A : i32
    %add3A = arith.addi %mul3A_0, %arg0 : i32
    %mul3A_1 = arith.constant 640 : i32
    %mul3A_2 = arith.muli %arg1, %mul3A_1 : i32
    "tpu.region"() ({
      %run_scoped3A = tpu.sem_alloc : memref<!tpu.dma_semaphore, #tpu.memory_space<semaphore_mem>>
      %dma_start3A = arith.constant 0 : i32
      %dma_start3A_15 = tpu.memref_slice %arg8[%mul3A_2, %dma_start3A] : memref<10240x128xf32, #tpu.memory_space<vmem_shared>> -> memref<640x128xf32, #tpu.memory_space<vmem_shared>>
      tpu.enqueue_dma source(%arg3 : memref<640x128xf32, #tpu.memory_space<hbm>>) target(%dma_start3A_15 : memref<640x128xf32, #tpu.memory_space<vmem_shared>>) target_semaphore(%run_scoped3A : memref<!tpu.dma_semaphore, #tpu.memory_space<semaphore_mem>>)
      %dma_wait3A = arith.constant 0 : i32
      %dma_wait3A_16 = tpu.memref_slice %arg8[%mul3A_2, %dma_wait3A] : memref<10240x128xf32, #tpu.memory_space<vmem_shared>> -> memref<640x128xf32, #tpu.memory_space<vmem_shared>>
      tpu.wait_dma2 semaphore(%run_scoped3A : memref<!tpu.dma_semaphore, #tpu.memory_space<semaphore_mem>>) src(%arg3 : memref<640x128xf32, #tpu.memory_space<hbm>>) dst(%dma_wait3A_16 : memref<640x128xf32, #tpu.memory_space<vmem_shared>>)
      tpu.yield
    }) : () -> ()
    "tpu.region"() ({
      %run_scoped3A = tpu.sem_alloc : memref<!tpu.dma_semaphore, #tpu.memory_space<semaphore_mem>>
      tpu.enqueue_dma source(%arg4 : memref<128x128xf32, #tpu.memory_space<hbm>>) target(%arg7 : memref<128x128xf32, #tpu.memory_space<vmem>>) target_semaphore(%run_scoped3A : memref<!tpu.dma_semaphore, #tpu.memory_space<semaphore_mem>>)
      tpu.wait_dma2 semaphore(%run_scoped3A : memref<!tpu.dma_semaphore, #tpu.memory_space<semaphore_mem>>) src(%arg4 : memref<128x128xf32, #tpu.memory_space<hbm>>) dst(%arg7 : memref<128x128xf32, #tpu.memory_space<vmem>>)
      tpu.yield
    }) : () -> ()
    %mul3A_3 = arith.constant 80 : i32
    %mul3A_4 = arith.muli %add3A, %mul3A_3 : i32
    "tpu.region"() ({
      %run_scoped3A = tpu.sem_alloc : memref<!tpu.dma_semaphore, #tpu.memory_space<semaphore_mem>>
      %dma_start3A = arith.constant 0 : i32
      %dma_start3A_15 = arith.constant 0 : i32
      %dma_start3A_16 = tpu.memref_slice %arg2[%mul3A_4, %dma_start3A, %dma_start3A_15] : memref<2640x1x128xi32, #tpu.memory_space<hbm>> -> memref<80x1x128xi32, #tpu.memory_space<hbm>>
      %dma_start3A_17 = arith.constant 0 : i32
      %dma_start3A_18 = arith.constant 0 : i32
      %dma_start3A_19 = tpu.memref_slice %arg2[%mul3A_4, %dma_start3A_17, %dma_start3A_18] : memref<2640x1x128xi32, #tpu.memory_space<hbm>> -> memref<80x1x128xi32, #tpu.memory_space<hbm>>
      tpu.enqueue_dma source(%dma_start3A_19 : memref<80x1x128xi32, #tpu.memory_space<hbm>>) target(%arg6 : memref<80x1x128xi32, #tpu.memory_space<vmem>>) target_semaphore(%run_scoped3A : memref<!tpu.dma_semaphore, #tpu.memory_space<semaphore_mem>>)
      %dma_wait3A = arith.constant 0 : i32
      %dma_wait3A_20 = arith.constant 0 : i32
      %dma_wait3A_21 = tpu.memref_slice %arg2[%mul3A_4, %dma_wait3A, %dma_wait3A_20] : memref<2640x1x128xi32, #tpu.memory_space<hbm>> -> memref<80x1x128xi32, #tpu.memory_space<hbm>>
      %dma_wait3A_22 = arith.constant 0 : i32
      %dma_wait3A_23 = arith.constant 0 : i32
      %dma_wait3A_24 = tpu.memref_slice %arg2[%mul3A_4, %dma_wait3A_22, %dma_wait3A_23] : memref<2640x1x128xi32, #tpu.memory_space<hbm>> -> memref<80x1x128xi32, #tpu.memory_space<hbm>>
      tpu.wait_dma2 semaphore(%run_scoped3A : memref<!tpu.dma_semaphore, #tpu.memory_space<semaphore_mem>>) src(%dma_wait3A_24 : memref<80x1x128xi32, #tpu.memory_space<hbm>>) dst(%arg6 : memref<80x1x128xi32, #tpu.memory_space<vmem>>)
      tpu.yield
    }) : () -> ()
    %barrier3A = arith.constant 0 : index
    tpu.barrier barrier_id(%barrier3A)
    %scan3A = arith.constant 0 : i32
    %scan3A_5 = arith.constant 0 : i32
    %scan3A_6 = arith.constant 80 : i32
    %scan3A_7 = arith.addi %scan3A_5, %scan3A_6 : i32
    %scan3A_8 = arith.constant 1 : i32
    scf.for %scan3A_15 = %scan3A_5 to %scan3A_7 step %scan3A_8  : i32 {
      %run_scoped3A = arith.constant 0 : i32
      "tpu.region"() ({
        %run_scoped3A_16 = tpu.sem_alloc : memref<!tpu.dma_semaphore, #tpu.memory_space<semaphore_mem>>
        %dma_start3A = arith.constant 0 : i32
        %dma_start3A_17 = tpu.memref_slice %arg6[%scan3A_15, %run_scoped3A, %dma_start3A] : memref<80x1x128xi32, #tpu.memory_space<vmem>> -> memref<1x1x128xi32, #tpu.memory_space<vmem>>
        %dma_start3A_18 = tpu.memref_squeeze %dma_start3A_17 : memref<1x1x128xi32, #tpu.memory_space<vmem>> -> memref<128xi32, #tpu.memory_space<vmem>>
        %dma_start3A_19 = arith.constant 0 : i32
        %dma_start3A_20 = arith.constant 0 : i32
        %dma_start3A_21 = tpu.memref_slice %arg8[%dma_start3A_19, %dma_start3A_20] : memref<10240x128xf32, #tpu.memory_space<vmem_shared>> -> memref<10240x128xf32, #tpu.memory_space<vmem_shared>>
        tpu.enqueue_indirect_dma source(%arg7 : memref<128x128xf32, #tpu.memory_space<vmem>>) target(%dma_start3A_21 : memref<10240x128xf32, #tpu.memory_space<vmem_shared>>) offsets(%dma_start3A_18 : memref<128xi32, #tpu.memory_space<vmem>>) semaphore(%run_scoped3A_16 : memref<!tpu.dma_semaphore, #tpu.memory_space<semaphore_mem>>) {add = true}
        %dma_wait3A = arith.constant 0 : i32
        %dma_wait3A_22 = tpu.memref_slice %arg6[%scan3A_15, %run_scoped3A, %dma_wait3A] : memref<80x1x128xi32, #tpu.memory_space<vmem>> -> memref<1x1x128xi32, #tpu.memory_space<vmem>>
        %dma_wait3A_23 = tpu.memref_squeeze %dma_wait3A_22 : memref<1x1x128xi32, #tpu.memory_space<vmem>> -> memref<128xi32, #tpu.memory_space<vmem>>
        %dma_wait3A_24 = arith.constant 0 : i32
        %dma_wait3A_25 = arith.constant 0 : i32
        %dma_wait3A_26 = tpu.memref_slice %arg8[%dma_wait3A_24, %dma_wait3A_25] : memref<10240x128xf32, #tpu.memory_space<vmem_shared>> -> memref<10240x128xf32, #tpu.memory_space<vmem_shared>>
        tpu.wait_indirect_dma semaphore(%run_scoped3A_16 : memref<!tpu.dma_semaphore, #tpu.memory_space<semaphore_mem>>) src(%arg7 : memref<128x128xf32, #tpu.memory_space<vmem>>) dst(%dma_wait3A_26 : memref<10240x128xf32, #tpu.memory_space<vmem_shared>>)
        tpu.yield
      }) : () -> ()
    }
    %scan3A_9 = arith.constant 80 : i32
    %barrier3A_10 = arith.constant 0 : index
    tpu.barrier barrier_id(%barrier3A_10)
    %mul3A_11 = arith.constant 640 : i32
    %mul3A_12 = arith.muli %arg1, %mul3A_11 : i32
    %mul3A_13 = arith.constant 640 : i32
    %mul3A_14 = arith.muli %arg1, %mul3A_13 : i32
    "tpu.region"() ({
      %run_scoped3A = tpu.sem_alloc : memref<!tpu.dma_semaphore, #tpu.memory_space<semaphore_mem>>
      %dma_start3A = arith.constant 0 : i32
      %dma_start3A_15 = tpu.memref_slice %arg5[%arg0, %mul3A_14, %dma_start3A] : memref<2x10240x128xf32, #tpu.memory_space<hbm>> -> memref<1x640x128xf32, #tpu.memory_space<hbm>>
      %dma_start3A_16 = tpu.memref_squeeze %dma_start3A_15 : memref<1x640x128xf32, #tpu.memory_space<hbm>> -> memref<640x128xf32, #tpu.memory_space<hbm>>
      %dma_start3A_17 = arith.constant 0 : i32
      %dma_start3A_18 = tpu.memref_slice %arg8[%mul3A_12, %dma_start3A_17] : memref<10240x128xf32, #tpu.memory_space<vmem_shared>> -> memref<640x128xf32, #tpu.memory_space<vmem_shared>>
      tpu.enqueue_dma source(%dma_start3A_18 : memref<640x128xf32, #tpu.memory_space<vmem_shared>>) target(%dma_start3A_16 : memref<640x128xf32, #tpu.memory_space<hbm>>) target_semaphore(%run_scoped3A : memref<!tpu.dma_semaphore, #tpu.memory_space<semaphore_mem>>)
      %dma_wait3A = arith.constant 0 : i32
      %dma_wait3A_19 = tpu.memref_slice %arg5[%arg0, %mul3A_14, %dma_wait3A] : memref<2x10240x128xf32, #tpu.memory_space<hbm>> -> memref<1x640x128xf32, #tpu.memory_space<hbm>>
      %dma_wait3A_20 = tpu.memref_squeeze %dma_wait3A_19 : memref<1x640x128xf32, #tpu.memory_space<hbm>> -> memref<640x128xf32, #tpu.memory_space<hbm>>
      %dma_wait3A_21 = arith.constant 0 : i32
      %dma_wait3A_22 = tpu.memref_slice %arg8[%mul3A_12, %dma_wait3A_21] : memref<10240x128xf32, #tpu.memory_space<vmem_shared>> -> memref<640x128xf32, #tpu.memory_space<vmem_shared>>
      tpu.wait_dma2 semaphore(%run_scoped3A : memref<!tpu.dma_semaphore, #tpu.memory_space<semaphore_mem>>) src(%dma_wait3A_22 : memref<640x128xf32, #tpu.memory_space<vmem_shared>>) dst(%dma_wait3A_20 : memref<640x128xf32, #tpu.memory_space<hbm>>)
      tpu.yield
    }) : () -> ()
    return
  }
}

#map = affine_map<(d0, d1) -> (0, 0, 0)>
#map1 = affine_map<(d0, d1) -> (0, 0)>
module attributes {stable_mosaic.version = 14 : i64} {
  func.func @_sc_aggregate_body(%arg0: i32, %arg1: i32, %arg2: memref<2640x1x128xi32, #tpu.memory_space<hbm>>, %arg3: memref<2640x1x128xi32, #tpu.memory_space<hbm>>, %arg4: memref<10240x128xf32, #tpu.memory_space<hbm>>, %arg5: memref<640x128xf32, #tpu.memory_space<hbm>>, %arg6: memref<2x10240x128xf32, #tpu.memory_space<hbm>>, %arg7: memref<80x1x128xi32, #tpu.memory_space<vmem>>, %arg8: memref<1x128xi32, #tpu.memory_space<vmem>>, %arg9: memref<1x128xi32, #tpu.memory_space<vmem>>, %arg10: memref<128x128xf32, #tpu.memory_space<vmem>>, %arg11: memref<128x128xf32, #tpu.memory_space<vmem>>, %arg12: memref<10240x128xf32, #tpu.memory_space<vmem_shared>>, %arg13: memref<!tpu.dma_semaphore, #tpu.memory_space<semaphore_mem>>, %arg14: memref<!tpu.dma_semaphore, #tpu.memory_space<semaphore_mem>>, %arg15: memref<!tpu.dma_semaphore, #tpu.memory_space<semaphore_mem>>, %arg16: memref<!tpu.dma_semaphore, #tpu.memory_space<semaphore_mem>>) attributes {dimension_semantics = [#tpu.dimension_semantics<core_parallel>, #tpu.dimension_semantics<subcore_parallel>], iteration_bounds = array<i64: 2, 16>, scalar_prefetch = 0 : i64, scratch_operands = 10 : i64, tpu.core_type = #tpu.core_type<sc_vector_subcore>, window_params = [{transform_indices = #map}, {transform_indices = #map}, {transform_indices = #map1}, {transform_indices = #map1}, {transform_indices = #map}]} {
    %eq3A = arith.constant 0 : i32
    %eq3A_0 = arith.cmpi eq, %arg0, %eq3A : i32
    %jit3A = arith.constant 80 : i32
    %jit3A_1 = arith.constant 80 : i32
    %select_n3A = arith.select %eq3A_0, %jit3A, %jit3A_1 : i32
    %eq3A_2 = arith.constant 0 : i32
    %eq3A_3 = arith.cmpi eq, %arg0, %eq3A_2 : i32
    %mul3A = arith.constant 80 : i32
    %mul3A_4 = arith.muli %arg1, %mul3A : i32
    %mul3A_5 = arith.constant 80 : i32
    %mul3A_6 = arith.muli %arg1, %mul3A_5 : i32
    %add3A = arith.constant 1280 : i32
    %add3A_7 = arith.addi %add3A, %mul3A_6 : i32
    %select_n3A_8 = arith.select %eq3A_3, %mul3A_4, %add3A_7 : i32
    %mul3A_9 = arith.constant 640 : i32
    %mul3A_10 = arith.muli %arg1, %mul3A_9 : i32
    "tpu.region"() ({
      %run_scoped3A_115 = tpu.sem_alloc : memref<!tpu.dma_semaphore, #tpu.memory_space<semaphore_mem>>
      %dma_start3A_116 = arith.constant 0 : i32
      %dma_start3A_117 = tpu.memref_slice %arg12[%mul3A_10, %dma_start3A_116] : memref<10240x128xf32, #tpu.memory_space<vmem_shared>> -> memref<640x128xf32, #tpu.memory_space<vmem_shared>>
      tpu.enqueue_dma source(%arg5 : memref<640x128xf32, #tpu.memory_space<hbm>>) target(%dma_start3A_117 : memref<640x128xf32, #tpu.memory_space<vmem_shared>>) target_semaphore(%run_scoped3A_115 : memref<!tpu.dma_semaphore, #tpu.memory_space<semaphore_mem>>)
      %dma_wait3A_118 = arith.constant 0 : i32
      %dma_wait3A_119 = tpu.memref_slice %arg12[%mul3A_10, %dma_wait3A_118] : memref<10240x128xf32, #tpu.memory_space<vmem_shared>> -> memref<640x128xf32, #tpu.memory_space<vmem_shared>>
      tpu.wait_dma2 semaphore(%run_scoped3A_115 : memref<!tpu.dma_semaphore, #tpu.memory_space<semaphore_mem>>) src(%arg5 : memref<640x128xf32, #tpu.memory_space<hbm>>) dst(%dma_wait3A_119 : memref<640x128xf32, #tpu.memory_space<vmem_shared>>)
      tpu.yield
    }) : () -> ()
    "tpu.region"() ({
      %run_scoped3A_115 = tpu.sem_alloc : memref<!tpu.dma_semaphore, #tpu.memory_space<semaphore_mem>>
      %dma_start3A_116 = arith.constant 0 : i32
      %dma_start3A_117 = arith.constant 0 : i32
      %dma_start3A_118 = tpu.memref_slice %arg2[%select_n3A_8, %dma_start3A_116, %dma_start3A_117] : memref<2640x1x128xi32, #tpu.memory_space<hbm>> -> memref<80x1x128xi32, #tpu.memory_space<hbm>>
      %dma_start3A_119 = arith.constant 0 : i32
      %dma_start3A_120 = arith.constant 0 : i32
      %dma_start3A_121 = tpu.memref_slice %arg2[%select_n3A_8, %dma_start3A_119, %dma_start3A_120] : memref<2640x1x128xi32, #tpu.memory_space<hbm>> -> memref<80x1x128xi32, #tpu.memory_space<hbm>>
      tpu.enqueue_dma source(%dma_start3A_121 : memref<80x1x128xi32, #tpu.memory_space<hbm>>) target(%arg7 : memref<80x1x128xi32, #tpu.memory_space<vmem>>) target_semaphore(%run_scoped3A_115 : memref<!tpu.dma_semaphore, #tpu.memory_space<semaphore_mem>>)
      %dma_wait3A_122 = arith.constant 0 : i32
      %dma_wait3A_123 = arith.constant 0 : i32
      %dma_wait3A_124 = tpu.memref_slice %arg2[%select_n3A_8, %dma_wait3A_122, %dma_wait3A_123] : memref<2640x1x128xi32, #tpu.memory_space<hbm>> -> memref<80x1x128xi32, #tpu.memory_space<hbm>>
      %dma_wait3A_125 = arith.constant 0 : i32
      %dma_wait3A_126 = arith.constant 0 : i32
      %dma_wait3A_127 = tpu.memref_slice %arg2[%select_n3A_8, %dma_wait3A_125, %dma_wait3A_126] : memref<2640x1x128xi32, #tpu.memory_space<hbm>> -> memref<80x1x128xi32, #tpu.memory_space<hbm>>
      tpu.wait_dma2 semaphore(%run_scoped3A_115 : memref<!tpu.dma_semaphore, #tpu.memory_space<semaphore_mem>>) src(%dma_wait3A_127 : memref<80x1x128xi32, #tpu.memory_space<hbm>>) dst(%arg7 : memref<80x1x128xi32, #tpu.memory_space<vmem>>)
      tpu.yield
    }) : () -> ()
    %barrier3A = arith.constant 0 : index
    tpu.barrier barrier_id(%barrier3A)
    %add3A_11 = arith.constant 0 : i32
    %add3A_12 = arith.addi %select_n3A_8, %add3A_11 : i32
    %dma_start3A = arith.constant 0 : i32
    %dma_start3A_13 = arith.constant 0 : i32
    %dma_start3A_14 = tpu.memref_slice %arg3[%add3A_12, %dma_start3A, %dma_start3A_13] : memref<2640x1x128xi32, #tpu.memory_space<hbm>> -> memref<1x1x128xi32, #tpu.memory_space<hbm>>
    %dma_start3A_15 = tpu.memref_squeeze %dma_start3A_14 : memref<1x1x128xi32, #tpu.memory_space<hbm>> -> memref<1x128xi32, #tpu.memory_space<hbm>>
    %dma_start3A_16 = arith.constant 0 : i32
    %dma_start3A_17 = tpu.memref_slice %arg3[%add3A_12, %dma_start3A, %dma_start3A_16] : memref<2640x1x128xi32, #tpu.memory_space<hbm>> -> memref<1x1x128xi32, #tpu.memory_space<hbm>>
    %dma_start3A_18 = tpu.memref_squeeze %dma_start3A_17 : memref<1x1x128xi32, #tpu.memory_space<hbm>> -> memref<1x128xi32, #tpu.memory_space<hbm>>
    tpu.enqueue_dma source(%dma_start3A_18 : memref<1x128xi32, #tpu.memory_space<hbm>>) target(%arg8 : memref<1x128xi32, #tpu.memory_space<vmem>>) target_semaphore(%arg15 : memref<!tpu.dma_semaphore, #tpu.memory_space<semaphore_mem>>)
    %add3A_19 = arith.constant 1 : i32
    %add3A_20 = arith.addi %select_n3A_8, %add3A_19 : i32
    %dma_start3A_21 = arith.constant 0 : i32
    %dma_start3A_22 = arith.constant 0 : i32
    %dma_start3A_23 = tpu.memref_slice %arg3[%add3A_20, %dma_start3A_21, %dma_start3A_22] : memref<2640x1x128xi32, #tpu.memory_space<hbm>> -> memref<1x1x128xi32, #tpu.memory_space<hbm>>
    %dma_start3A_24 = tpu.memref_squeeze %dma_start3A_23 : memref<1x1x128xi32, #tpu.memory_space<hbm>> -> memref<1x128xi32, #tpu.memory_space<hbm>>
    %dma_start3A_25 = arith.constant 0 : i32
    %dma_start3A_26 = tpu.memref_slice %arg3[%add3A_20, %dma_start3A_21, %dma_start3A_25] : memref<2640x1x128xi32, #tpu.memory_space<hbm>> -> memref<1x1x128xi32, #tpu.memory_space<hbm>>
    %dma_start3A_27 = tpu.memref_squeeze %dma_start3A_26 : memref<1x1x128xi32, #tpu.memory_space<hbm>> -> memref<1x128xi32, #tpu.memory_space<hbm>>
    tpu.enqueue_dma source(%dma_start3A_27 : memref<1x128xi32, #tpu.memory_space<hbm>>) target(%arg9 : memref<1x128xi32, #tpu.memory_space<vmem>>) target_semaphore(%arg16 : memref<!tpu.dma_semaphore, #tpu.memory_space<semaphore_mem>>)
    %dma_start3A_28 = arith.constant 0 : i32
    %dma_start3A_29 = arith.constant 0 : i32
    %dma_start3A_30 = arith.constant 0 : i32
    %dma_start3A_31 = tpu.memref_slice %arg7[%dma_start3A_28, %dma_start3A_29, %dma_start3A_30] : memref<80x1x128xi32, #tpu.memory_space<vmem>> -> memref<1x1x128xi32, #tpu.memory_space<vmem>>
    %dma_start3A_32 = tpu.memref_squeeze %dma_start3A_31 : memref<1x1x128xi32, #tpu.memory_space<vmem>> -> memref<128xi32, #tpu.memory_space<vmem>>
    %dma_start3A_33 = arith.constant 0 : i32
    %dma_start3A_34 = arith.constant 0 : i32
    %dma_start3A_35 = tpu.memref_slice %arg4[%dma_start3A_33, %dma_start3A_34] : memref<10240x128xf32, #tpu.memory_space<hbm>> -> memref<10240x128xf32, #tpu.memory_space<hbm>>
    tpu.enqueue_indirect_dma source(%dma_start3A_35 : memref<10240x128xf32, #tpu.memory_space<hbm>>) target(%arg10 : memref<128x128xf32, #tpu.memory_space<vmem>>) offsets(%dma_start3A_32 : memref<128xi32, #tpu.memory_space<vmem>>) semaphore(%arg13 : memref<!tpu.dma_semaphore, #tpu.memory_space<semaphore_mem>>)
    %jit3A_36 = arith.constant 2 : i32
    %div3A = arith.divsi %select_n3A, %jit3A_36 : i32
    %sign3A = arith.constant 0 : i32
    %sign3A_37 = arith.cmpi sgt, %select_n3A, %sign3A : i32
    %sign3A_38 = arith.extui %sign3A_37 : i1 to i32
    %sign3A_39 = arith.constant 0 : i32
    %sign3A_40 = arith.cmpi slt, %select_n3A, %sign3A_39 : i32
    %sign3A_41 = arith.extui %sign3A_40 : i1 to i32
    %sign3A_42 = arith.subi %sign3A_38, %sign3A_41 : i32
    %sign3A_43 = arith.constant 0 : i32
    %sign3A_44 = arith.cmpi sgt, %jit3A_36, %sign3A_43 : i32
    %sign3A_45 = arith.extui %sign3A_44 : i1 to i32
    %sign3A_46 = arith.constant 0 : i32
    %sign3A_47 = arith.cmpi slt, %jit3A_36, %sign3A_46 : i32
    %sign3A_48 = arith.extui %sign3A_47 : i1 to i32
    %sign3A_49 = arith.subi %sign3A_45, %sign3A_48 : i32
    %ne3A = arith.cmpi ne, %sign3A_42, %sign3A_49 : i32
    %rem3A = arith.remsi %select_n3A, %jit3A_36 : i32
    %ne3A_50 = arith.constant 0 : i32
    %ne3A_51 = arith.cmpi ne, %rem3A, %ne3A_50 : i32
    %and3A = arith.andi %ne3A, %ne3A_51 : i1
    %sub3A = arith.constant 1 : i32
    %sub3A_52 = arith.subi %div3A, %sub3A : i32
    %select_n3A_53 = arith.select %and3A, %sub3A_52, %div3A : i32
    %sub3A_54 = arith.constant 1 : i32
    %sub3A_55 = arith.subi %select_n3A_53, %sub3A_54 : i32
    %while3A = arith.constant 0 : i32
    %while3A_56 = arith.constant 0 : i32
    %while3A_57 = arith.subi %sub3A_55, %while3A_56 : i32
    %while3A_58 = arith.addi %while3A_56, %while3A_57 : i32
    %while3A_59 = arith.constant 1 : i32
    %while3A_60 = arith.divsi %while3A_57, %while3A_59 : i32
    %while3A_61 = arith.muli %while3A_60, %while3A_59 : i32
    %while3A_62 = arith.addi %while3A_56, %while3A_61 : i32
    %while3A_63 = arith.constant 1 : i32
    scf.for %while3A_115 = %while3A_56 to %while3A_62 step %while3A_63  : i32 {
      %mul3A_116 = arith.constant 2 : i32
      %mul3A_117 = arith.muli %mul3A_116, %while3A_115 : i32
      %add3A_118 = arith.constant 1 : i32
      %add3A_119 = arith.addi %mul3A_117, %add3A_118 : i32
      %dma_start3A_120 = arith.constant 0 : i32
      %dma_start3A_121 = arith.constant 0 : i32
      %dma_start3A_122 = tpu.memref_slice %arg7[%add3A_119, %dma_start3A_120, %dma_start3A_121] : memref<80x1x128xi32, #tpu.memory_space<vmem>> -> memref<1x1x128xi32, #tpu.memory_space<vmem>>
      %dma_start3A_123 = tpu.memref_squeeze %dma_start3A_122 : memref<1x1x128xi32, #tpu.memory_space<vmem>> -> memref<128xi32, #tpu.memory_space<vmem>>
      %dma_start3A_124 = arith.constant 0 : i32
      %dma_start3A_125 = arith.constant 0 : i32
      %dma_start3A_126 = tpu.memref_slice %arg4[%dma_start3A_124, %dma_start3A_125] : memref<10240x128xf32, #tpu.memory_space<hbm>> -> memref<10240x128xf32, #tpu.memory_space<hbm>>
      tpu.enqueue_indirect_dma source(%dma_start3A_126 : memref<10240x128xf32, #tpu.memory_space<hbm>>) target(%arg11 : memref<128x128xf32, #tpu.memory_space<vmem>>) offsets(%dma_start3A_123 : memref<128xi32, #tpu.memory_space<vmem>>) semaphore(%arg14 : memref<!tpu.dma_semaphore, #tpu.memory_space<semaphore_mem>>)
      %dma_wait3A_127 = arith.constant 0 : i32
      %dma_wait3A_128 = arith.constant 0 : i32
      %dma_wait3A_129 = tpu.memref_slice %arg7[%mul3A_117, %dma_wait3A_127, %dma_wait3A_128] : memref<80x1x128xi32, #tpu.memory_space<vmem>> -> memref<1x1x128xi32, #tpu.memory_space<vmem>>
      %dma_wait3A_130 = tpu.memref_squeeze %dma_wait3A_129 : memref<1x1x128xi32, #tpu.memory_space<vmem>> -> memref<128xi32, #tpu.memory_space<vmem>>
      %dma_wait3A_131 = arith.constant 0 : i32
      %dma_wait3A_132 = arith.constant 0 : i32
      %dma_wait3A_133 = tpu.memref_slice %arg4[%dma_wait3A_131, %dma_wait3A_132] : memref<10240x128xf32, #tpu.memory_space<hbm>> -> memref<10240x128xf32, #tpu.memory_space<hbm>>
      tpu.wait_indirect_dma semaphore(%arg13 : memref<!tpu.dma_semaphore, #tpu.memory_space<semaphore_mem>>) src(%dma_wait3A_133 : memref<10240x128xf32, #tpu.memory_space<hbm>>) dst(%arg10 : memref<128x128xf32, #tpu.memory_space<vmem>>)
      %add3A_134 = arith.addi %select_n3A_8, %mul3A_117 : i32
      %dma_wait3A_135 = arith.constant 0 : i32
      %dma_wait3A_136 = arith.constant 0 : i32
      %dma_wait3A_137 = tpu.memref_slice %arg3[%add3A_134, %dma_wait3A_135, %dma_wait3A_136] : memref<2640x1x128xi32, #tpu.memory_space<hbm>> -> memref<1x1x128xi32, #tpu.memory_space<hbm>>
      %dma_wait3A_138 = tpu.memref_squeeze %dma_wait3A_137 : memref<1x1x128xi32, #tpu.memory_space<hbm>> -> memref<1x128xi32, #tpu.memory_space<hbm>>
      %dma_wait3A_139 = arith.constant 0 : i32
      %dma_wait3A_140 = tpu.memref_slice %arg3[%add3A_134, %dma_wait3A_135, %dma_wait3A_139] : memref<2640x1x128xi32, #tpu.memory_space<hbm>> -> memref<1x1x128xi32, #tpu.memory_space<hbm>>
      %dma_wait3A_141 = tpu.memref_squeeze %dma_wait3A_140 : memref<1x1x128xi32, #tpu.memory_space<hbm>> -> memref<1x128xi32, #tpu.memory_space<hbm>>
      tpu.wait_dma2 semaphore(%arg15 : memref<!tpu.dma_semaphore, #tpu.memory_space<semaphore_mem>>) src(%dma_wait3A_141 : memref<1x128xi32, #tpu.memory_space<hbm>>) dst(%arg8 : memref<1x128xi32, #tpu.memory_space<vmem>>)
      %run_scoped3A_142 = arith.constant 0 : i32
      "tpu.region"() ({
        %run_scoped3A_192 = tpu.sem_alloc : memref<!tpu.dma_semaphore, #tpu.memory_space<semaphore_mem>>
        %dma_start3A_193 = arith.constant 0 : i32
        %dma_start3A_194 = tpu.memref_slice %arg8[%run_scoped3A_142, %dma_start3A_193] : memref<1x128xi32, #tpu.memory_space<vmem>> -> memref<1x128xi32, #tpu.memory_space<vmem>>
        %dma_start3A_195 = tpu.memref_squeeze %dma_start3A_194 : memref<1x128xi32, #tpu.memory_space<vmem>> -> memref<128xi32, #tpu.memory_space<vmem>>
        %dma_start3A_196 = arith.constant 0 : i32
        %dma_start3A_197 = arith.constant 0 : i32
        %dma_start3A_198 = tpu.memref_slice %arg12[%dma_start3A_196, %dma_start3A_197] : memref<10240x128xf32, #tpu.memory_space<vmem_shared>> -> memref<10240x128xf32, #tpu.memory_space<vmem_shared>>
        tpu.enqueue_indirect_dma source(%arg10 : memref<128x128xf32, #tpu.memory_space<vmem>>) target(%dma_start3A_198 : memref<10240x128xf32, #tpu.memory_space<vmem_shared>>) offsets(%dma_start3A_195 : memref<128xi32, #tpu.memory_space<vmem>>) semaphore(%run_scoped3A_192 : memref<!tpu.dma_semaphore, #tpu.memory_space<semaphore_mem>>) {add = true}
        %dma_wait3A_199 = arith.constant 0 : i32
        %dma_wait3A_200 = tpu.memref_slice %arg8[%run_scoped3A_142, %dma_wait3A_199] : memref<1x128xi32, #tpu.memory_space<vmem>> -> memref<1x128xi32, #tpu.memory_space<vmem>>
        %dma_wait3A_201 = tpu.memref_squeeze %dma_wait3A_200 : memref<1x128xi32, #tpu.memory_space<vmem>> -> memref<128xi32, #tpu.memory_space<vmem>>
        %dma_wait3A_202 = arith.constant 0 : i32
        %dma_wait3A_203 = arith.constant 0 : i32
        %dma_wait3A_204 = tpu.memref_slice %arg12[%dma_wait3A_202, %dma_wait3A_203] : memref<10240x128xf32, #tpu.memory_space<vmem_shared>> -> memref<10240x128xf32, #tpu.memory_space<vmem_shared>>
        tpu.wait_indirect_dma semaphore(%run_scoped3A_192 : memref<!tpu.dma_semaphore, #tpu.memory_space<semaphore_mem>>) src(%arg10 : memref<128x128xf32, #tpu.memory_space<vmem>>) dst(%dma_wait3A_204 : memref<10240x128xf32, #tpu.memory_space<vmem_shared>>)
        tpu.yield
      }) : () -> ()
      %add3A_143 = arith.constant 2 : i32
      %add3A_144 = arith.addi %mul3A_117, %add3A_143 : i32
      %add3A_145 = arith.addi %select_n3A_8, %add3A_144 : i32
      %dma_start3A_146 = arith.constant 0 : i32
      %dma_start3A_147 = arith.constant 0 : i32
      %dma_start3A_148 = tpu.memref_slice %arg3[%add3A_145, %dma_start3A_146, %dma_start3A_147] : memref<2640x1x128xi32, #tpu.memory_space<hbm>> -> memref<1x1x128xi32, #tpu.memory_space<hbm>>
      %dma_start3A_149 = tpu.memref_squeeze %dma_start3A_148 : memref<1x1x128xi32, #tpu.memory_space<hbm>> -> memref<1x128xi32, #tpu.memory_space<hbm>>
      %dma_start3A_150 = arith.constant 0 : i32
      %dma_start3A_151 = tpu.memref_slice %arg3[%add3A_145, %dma_start3A_146, %dma_start3A_150] : memref<2640x1x128xi32, #tpu.memory_space<hbm>> -> memref<1x1x128xi32, #tpu.memory_space<hbm>>
      %dma_start3A_152 = tpu.memref_squeeze %dma_start3A_151 : memref<1x1x128xi32, #tpu.memory_space<hbm>> -> memref<1x128xi32, #tpu.memory_space<hbm>>
      tpu.enqueue_dma source(%dma_start3A_152 : memref<1x128xi32, #tpu.memory_space<hbm>>) target(%arg8 : memref<1x128xi32, #tpu.memory_space<vmem>>) target_semaphore(%arg15 : memref<!tpu.dma_semaphore, #tpu.memory_space<semaphore_mem>>)
      %add3A_153 = arith.constant 2 : i32
      %add3A_154 = arith.addi %mul3A_117, %add3A_153 : i32
      %dma_start3A_155 = arith.constant 0 : i32
      %dma_start3A_156 = arith.constant 0 : i32
      %dma_start3A_157 = tpu.memref_slice %arg7[%add3A_154, %dma_start3A_155, %dma_start3A_156] : memref<80x1x128xi32, #tpu.memory_space<vmem>> -> memref<1x1x128xi32, #tpu.memory_space<vmem>>
      %dma_start3A_158 = tpu.memref_squeeze %dma_start3A_157 : memref<1x1x128xi32, #tpu.memory_space<vmem>> -> memref<128xi32, #tpu.memory_space<vmem>>
      %dma_start3A_159 = arith.constant 0 : i32
      %dma_start3A_160 = arith.constant 0 : i32
      %dma_start3A_161 = tpu.memref_slice %arg4[%dma_start3A_159, %dma_start3A_160] : memref<10240x128xf32, #tpu.memory_space<hbm>> -> memref<10240x128xf32, #tpu.memory_space<hbm>>
      tpu.enqueue_indirect_dma source(%dma_start3A_161 : memref<10240x128xf32, #tpu.memory_space<hbm>>) target(%arg10 : memref<128x128xf32, #tpu.memory_space<vmem>>) offsets(%dma_start3A_158 : memref<128xi32, #tpu.memory_space<vmem>>) semaphore(%arg13 : memref<!tpu.dma_semaphore, #tpu.memory_space<semaphore_mem>>)
      %add3A_162 = arith.constant 1 : i32
      %add3A_163 = arith.addi %mul3A_117, %add3A_162 : i32
      %dma_wait3A_164 = arith.constant 0 : i32
      %dma_wait3A_165 = arith.constant 0 : i32
      %dma_wait3A_166 = tpu.memref_slice %arg7[%add3A_163, %dma_wait3A_164, %dma_wait3A_165] : memref<80x1x128xi32, #tpu.memory_space<vmem>> -> memref<1x1x128xi32, #tpu.memory_space<vmem>>
      %dma_wait3A_167 = tpu.memref_squeeze %dma_wait3A_166 : memref<1x1x128xi32, #tpu.memory_space<vmem>> -> memref<128xi32, #tpu.memory_space<vmem>>
      %dma_wait3A_168 = arith.constant 0 : i32
      %dma_wait3A_169 = arith.constant 0 : i32
      %dma_wait3A_170 = tpu.memref_slice %arg4[%dma_wait3A_168, %dma_wait3A_169] : memref<10240x128xf32, #tpu.memory_space<hbm>> -> memref<10240x128xf32, #tpu.memory_space<hbm>>
      tpu.wait_indirect_dma semaphore(%arg14 : memref<!tpu.dma_semaphore, #tpu.memory_space<semaphore_mem>>) src(%dma_wait3A_170 : memref<10240x128xf32, #tpu.memory_space<hbm>>) dst(%arg11 : memref<128x128xf32, #tpu.memory_space<vmem>>)
      %add3A_171 = arith.constant 1 : i32
      %add3A_172 = arith.addi %mul3A_117, %add3A_171 : i32
      %add3A_173 = arith.addi %select_n3A_8, %add3A_172 : i32
      %dma_wait3A_174 = arith.constant 0 : i32
      %dma_wait3A_175 = arith.constant 0 : i32
      %dma_wait3A_176 = tpu.memref_slice %arg3[%add3A_173, %dma_wait3A_174, %dma_wait3A_175] : memref<2640x1x128xi32, #tpu.memory_space<hbm>> -> memref<1x1x128xi32, #tpu.memory_space<hbm>>
      %dma_wait3A_177 = tpu.memref_squeeze %dma_wait3A_176 : memref<1x1x128xi32, #tpu.memory_space<hbm>> -> memref<1x128xi32, #tpu.memory_space<hbm>>
      %dma_wait3A_178 = arith.constant 0 : i32
      %dma_wait3A_179 = tpu.memref_slice %arg3[%add3A_173, %dma_wait3A_174, %dma_wait3A_178] : memref<2640x1x128xi32, #tpu.memory_space<hbm>> -> memref<1x1x128xi32, #tpu.memory_space<hbm>>
      %dma_wait3A_180 = tpu.memref_squeeze %dma_wait3A_179 : memref<1x1x128xi32, #tpu.memory_space<hbm>> -> memref<1x128xi32, #tpu.memory_space<hbm>>
      tpu.wait_dma2 semaphore(%arg16 : memref<!tpu.dma_semaphore, #tpu.memory_space<semaphore_mem>>) src(%dma_wait3A_180 : memref<1x128xi32, #tpu.memory_space<hbm>>) dst(%arg9 : memref<1x128xi32, #tpu.memory_space<vmem>>)
      %run_scoped3A_181 = arith.constant 0 : i32
      "tpu.region"() ({
        %run_scoped3A_192 = tpu.sem_alloc : memref<!tpu.dma_semaphore, #tpu.memory_space<semaphore_mem>>
        %dma_start3A_193 = arith.constant 0 : i32
        %dma_start3A_194 = tpu.memref_slice %arg9[%run_scoped3A_181, %dma_start3A_193] : memref<1x128xi32, #tpu.memory_space<vmem>> -> memref<1x128xi32, #tpu.memory_space<vmem>>
        %dma_start3A_195 = tpu.memref_squeeze %dma_start3A_194 : memref<1x128xi32, #tpu.memory_space<vmem>> -> memref<128xi32, #tpu.memory_space<vmem>>
        %dma_start3A_196 = arith.constant 0 : i32
        %dma_start3A_197 = arith.constant 0 : i32
        %dma_start3A_198 = tpu.memref_slice %arg12[%dma_start3A_196, %dma_start3A_197] : memref<10240x128xf32, #tpu.memory_space<vmem_shared>> -> memref<10240x128xf32, #tpu.memory_space<vmem_shared>>
        tpu.enqueue_indirect_dma source(%arg11 : memref<128x128xf32, #tpu.memory_space<vmem>>) target(%dma_start3A_198 : memref<10240x128xf32, #tpu.memory_space<vmem_shared>>) offsets(%dma_start3A_195 : memref<128xi32, #tpu.memory_space<vmem>>) semaphore(%run_scoped3A_192 : memref<!tpu.dma_semaphore, #tpu.memory_space<semaphore_mem>>) {add = true}
        %dma_wait3A_199 = arith.constant 0 : i32
        %dma_wait3A_200 = tpu.memref_slice %arg9[%run_scoped3A_181, %dma_wait3A_199] : memref<1x128xi32, #tpu.memory_space<vmem>> -> memref<1x128xi32, #tpu.memory_space<vmem>>
        %dma_wait3A_201 = tpu.memref_squeeze %dma_wait3A_200 : memref<1x128xi32, #tpu.memory_space<vmem>> -> memref<128xi32, #tpu.memory_space<vmem>>
        %dma_wait3A_202 = arith.constant 0 : i32
        %dma_wait3A_203 = arith.constant 0 : i32
        %dma_wait3A_204 = tpu.memref_slice %arg12[%dma_wait3A_202, %dma_wait3A_203] : memref<10240x128xf32, #tpu.memory_space<vmem_shared>> -> memref<10240x128xf32, #tpu.memory_space<vmem_shared>>
        tpu.wait_indirect_dma semaphore(%run_scoped3A_192 : memref<!tpu.dma_semaphore, #tpu.memory_space<semaphore_mem>>) src(%arg11 : memref<128x128xf32, #tpu.memory_space<vmem>>) dst(%dma_wait3A_204 : memref<10240x128xf32, #tpu.memory_space<vmem_shared>>)
        tpu.yield
      }) : () -> ()
      %add3A_182 = arith.constant 3 : i32
      %add3A_183 = arith.addi %mul3A_117, %add3A_182 : i32
      %add3A_184 = arith.addi %select_n3A_8, %add3A_183 : i32
      %dma_start3A_185 = arith.constant 0 : i32
      %dma_start3A_186 = arith.constant 0 : i32
      %dma_start3A_187 = tpu.memref_slice %arg3[%add3A_184, %dma_start3A_185, %dma_start3A_186] : memref<2640x1x128xi32, #tpu.memory_space<hbm>> -> memref<1x1x128xi32, #tpu.memory_space<hbm>>
      %dma_start3A_188 = tpu.memref_squeeze %dma_start3A_187 : memref<1x1x128xi32, #tpu.memory_space<hbm>> -> memref<1x128xi32, #tpu.memory_space<hbm>>
      %dma_start3A_189 = arith.constant 0 : i32
      %dma_start3A_190 = tpu.memref_slice %arg3[%add3A_184, %dma_start3A_185, %dma_start3A_189] : memref<2640x1x128xi32, #tpu.memory_space<hbm>> -> memref<1x1x128xi32, #tpu.memory_space<hbm>>
      %dma_start3A_191 = tpu.memref_squeeze %dma_start3A_190 : memref<1x1x128xi32, #tpu.memory_space<hbm>> -> memref<1x128xi32, #tpu.memory_space<hbm>>
      tpu.enqueue_dma source(%dma_start3A_191 : memref<1x128xi32, #tpu.memory_space<hbm>>) target(%arg9 : memref<1x128xi32, #tpu.memory_space<vmem>>) target_semaphore(%arg16 : memref<!tpu.dma_semaphore, #tpu.memory_space<semaphore_mem>>)
    }
    %while3A_64 = arith.constant 1 : i32
    scf.for %while3A_115 = %while3A_62 to %while3A_58 step %while3A_64  : i32 {
      %mul3A_116 = arith.constant 2 : i32
      %mul3A_117 = arith.muli %mul3A_116, %while3A_115 : i32
      %add3A_118 = arith.constant 1 : i32
      %add3A_119 = arith.addi %mul3A_117, %add3A_118 : i32
      %dma_start3A_120 = arith.constant 0 : i32
      %dma_start3A_121 = arith.constant 0 : i32
      %dma_start3A_122 = tpu.memref_slice %arg7[%add3A_119, %dma_start3A_120, %dma_start3A_121] : memref<80x1x128xi32, #tpu.memory_space<vmem>> -> memref<1x1x128xi32, #tpu.memory_space<vmem>>
      %dma_start3A_123 = tpu.memref_squeeze %dma_start3A_122 : memref<1x1x128xi32, #tpu.memory_space<vmem>> -> memref<128xi32, #tpu.memory_space<vmem>>
      %dma_start3A_124 = arith.constant 0 : i32
      %dma_start3A_125 = arith.constant 0 : i32
      %dma_start3A_126 = tpu.memref_slice %arg4[%dma_start3A_124, %dma_start3A_125] : memref<10240x128xf32, #tpu.memory_space<hbm>> -> memref<10240x128xf32, #tpu.memory_space<hbm>>
      tpu.enqueue_indirect_dma source(%dma_start3A_126 : memref<10240x128xf32, #tpu.memory_space<hbm>>) target(%arg11 : memref<128x128xf32, #tpu.memory_space<vmem>>) offsets(%dma_start3A_123 : memref<128xi32, #tpu.memory_space<vmem>>) semaphore(%arg14 : memref<!tpu.dma_semaphore, #tpu.memory_space<semaphore_mem>>)
      %dma_wait3A_127 = arith.constant 0 : i32
      %dma_wait3A_128 = arith.constant 0 : i32
      %dma_wait3A_129 = tpu.memref_slice %arg7[%mul3A_117, %dma_wait3A_127, %dma_wait3A_128] : memref<80x1x128xi32, #tpu.memory_space<vmem>> -> memref<1x1x128xi32, #tpu.memory_space<vmem>>
      %dma_wait3A_130 = tpu.memref_squeeze %dma_wait3A_129 : memref<1x1x128xi32, #tpu.memory_space<vmem>> -> memref<128xi32, #tpu.memory_space<vmem>>
      %dma_wait3A_131 = arith.constant 0 : i32
      %dma_wait3A_132 = arith.constant 0 : i32
      %dma_wait3A_133 = tpu.memref_slice %arg4[%dma_wait3A_131, %dma_wait3A_132] : memref<10240x128xf32, #tpu.memory_space<hbm>> -> memref<10240x128xf32, #tpu.memory_space<hbm>>
      tpu.wait_indirect_dma semaphore(%arg13 : memref<!tpu.dma_semaphore, #tpu.memory_space<semaphore_mem>>) src(%dma_wait3A_133 : memref<10240x128xf32, #tpu.memory_space<hbm>>) dst(%arg10 : memref<128x128xf32, #tpu.memory_space<vmem>>)
      %add3A_134 = arith.addi %select_n3A_8, %mul3A_117 : i32
      %dma_wait3A_135 = arith.constant 0 : i32
      %dma_wait3A_136 = arith.constant 0 : i32
      %dma_wait3A_137 = tpu.memref_slice %arg3[%add3A_134, %dma_wait3A_135, %dma_wait3A_136] : memref<2640x1x128xi32, #tpu.memory_space<hbm>> -> memref<1x1x128xi32, #tpu.memory_space<hbm>>
      %dma_wait3A_138 = tpu.memref_squeeze %dma_wait3A_137 : memref<1x1x128xi32, #tpu.memory_space<hbm>> -> memref<1x128xi32, #tpu.memory_space<hbm>>
      %dma_wait3A_139 = arith.constant 0 : i32
      %dma_wait3A_140 = tpu.memref_slice %arg3[%add3A_134, %dma_wait3A_135, %dma_wait3A_139] : memref<2640x1x128xi32, #tpu.memory_space<hbm>> -> memref<1x1x128xi32, #tpu.memory_space<hbm>>
      %dma_wait3A_141 = tpu.memref_squeeze %dma_wait3A_140 : memref<1x1x128xi32, #tpu.memory_space<hbm>> -> memref<1x128xi32, #tpu.memory_space<hbm>>
      tpu.wait_dma2 semaphore(%arg15 : memref<!tpu.dma_semaphore, #tpu.memory_space<semaphore_mem>>) src(%dma_wait3A_141 : memref<1x128xi32, #tpu.memory_space<hbm>>) dst(%arg8 : memref<1x128xi32, #tpu.memory_space<vmem>>)
      %run_scoped3A_142 = arith.constant 0 : i32
      "tpu.region"() ({
        %run_scoped3A_192 = tpu.sem_alloc : memref<!tpu.dma_semaphore, #tpu.memory_space<semaphore_mem>>
        %dma_start3A_193 = arith.constant 0 : i32
        %dma_start3A_194 = tpu.memref_slice %arg8[%run_scoped3A_142, %dma_start3A_193] : memref<1x128xi32, #tpu.memory_space<vmem>> -> memref<1x128xi32, #tpu.memory_space<vmem>>
        %dma_start3A_195 = tpu.memref_squeeze %dma_start3A_194 : memref<1x128xi32, #tpu.memory_space<vmem>> -> memref<128xi32, #tpu.memory_space<vmem>>
        %dma_start3A_196 = arith.constant 0 : i32
        %dma_start3A_197 = arith.constant 0 : i32
        %dma_start3A_198 = tpu.memref_slice %arg12[%dma_start3A_196, %dma_start3A_197] : memref<10240x128xf32, #tpu.memory_space<vmem_shared>> -> memref<10240x128xf32, #tpu.memory_space<vmem_shared>>
        tpu.enqueue_indirect_dma source(%arg10 : memref<128x128xf32, #tpu.memory_space<vmem>>) target(%dma_start3A_198 : memref<10240x128xf32, #tpu.memory_space<vmem_shared>>) offsets(%dma_start3A_195 : memref<128xi32, #tpu.memory_space<vmem>>) semaphore(%run_scoped3A_192 : memref<!tpu.dma_semaphore, #tpu.memory_space<semaphore_mem>>) {add = true}
        %dma_wait3A_199 = arith.constant 0 : i32
        %dma_wait3A_200 = tpu.memref_slice %arg8[%run_scoped3A_142, %dma_wait3A_199] : memref<1x128xi32, #tpu.memory_space<vmem>> -> memref<1x128xi32, #tpu.memory_space<vmem>>
        %dma_wait3A_201 = tpu.memref_squeeze %dma_wait3A_200 : memref<1x128xi32, #tpu.memory_space<vmem>> -> memref<128xi32, #tpu.memory_space<vmem>>
        %dma_wait3A_202 = arith.constant 0 : i32
        %dma_wait3A_203 = arith.constant 0 : i32
        %dma_wait3A_204 = tpu.memref_slice %arg12[%dma_wait3A_202, %dma_wait3A_203] : memref<10240x128xf32, #tpu.memory_space<vmem_shared>> -> memref<10240x128xf32, #tpu.memory_space<vmem_shared>>
        tpu.wait_indirect_dma semaphore(%run_scoped3A_192 : memref<!tpu.dma_semaphore, #tpu.memory_space<semaphore_mem>>) src(%arg10 : memref<128x128xf32, #tpu.memory_space<vmem>>) dst(%dma_wait3A_204 : memref<10240x128xf32, #tpu.memory_space<vmem_shared>>)
        tpu.yield
      }) : () -> ()
      %add3A_143 = arith.constant 2 : i32
      %add3A_144 = arith.addi %mul3A_117, %add3A_143 : i32
      %add3A_145 = arith.addi %select_n3A_8, %add3A_144 : i32
      %dma_start3A_146 = arith.constant 0 : i32
      %dma_start3A_147 = arith.constant 0 : i32
      %dma_start3A_148 = tpu.memref_slice %arg3[%add3A_145, %dma_start3A_146, %dma_start3A_147] : memref<2640x1x128xi32, #tpu.memory_space<hbm>> -> memref<1x1x128xi32, #tpu.memory_space<hbm>>
      %dma_start3A_149 = tpu.memref_squeeze %dma_start3A_148 : memref<1x1x128xi32, #tpu.memory_space<hbm>> -> memref<1x128xi32, #tpu.memory_space<hbm>>
      %dma_start3A_150 = arith.constant 0 : i32
      %dma_start3A_151 = tpu.memref_slice %arg3[%add3A_145, %dma_start3A_146, %dma_start3A_150] : memref<2640x1x128xi32, #tpu.memory_space<hbm>> -> memref<1x1x128xi32, #tpu.memory_space<hbm>>
      %dma_start3A_152 = tpu.memref_squeeze %dma_start3A_151 : memref<1x1x128xi32, #tpu.memory_space<hbm>> -> memref<1x128xi32, #tpu.memory_space<hbm>>
      tpu.enqueue_dma source(%dma_start3A_152 : memref<1x128xi32, #tpu.memory_space<hbm>>) target(%arg8 : memref<1x128xi32, #tpu.memory_space<vmem>>) target_semaphore(%arg15 : memref<!tpu.dma_semaphore, #tpu.memory_space<semaphore_mem>>)
      %add3A_153 = arith.constant 2 : i32
      %add3A_154 = arith.addi %mul3A_117, %add3A_153 : i32
      %dma_start3A_155 = arith.constant 0 : i32
      %dma_start3A_156 = arith.constant 0 : i32
      %dma_start3A_157 = tpu.memref_slice %arg7[%add3A_154, %dma_start3A_155, %dma_start3A_156] : memref<80x1x128xi32, #tpu.memory_space<vmem>> -> memref<1x1x128xi32, #tpu.memory_space<vmem>>
      %dma_start3A_158 = tpu.memref_squeeze %dma_start3A_157 : memref<1x1x128xi32, #tpu.memory_space<vmem>> -> memref<128xi32, #tpu.memory_space<vmem>>
      %dma_start3A_159 = arith.constant 0 : i32
      %dma_start3A_160 = arith.constant 0 : i32
      %dma_start3A_161 = tpu.memref_slice %arg4[%dma_start3A_159, %dma_start3A_160] : memref<10240x128xf32, #tpu.memory_space<hbm>> -> memref<10240x128xf32, #tpu.memory_space<hbm>>
      tpu.enqueue_indirect_dma source(%dma_start3A_161 : memref<10240x128xf32, #tpu.memory_space<hbm>>) target(%arg10 : memref<128x128xf32, #tpu.memory_space<vmem>>) offsets(%dma_start3A_158 : memref<128xi32, #tpu.memory_space<vmem>>) semaphore(%arg13 : memref<!tpu.dma_semaphore, #tpu.memory_space<semaphore_mem>>)
      %add3A_162 = arith.constant 1 : i32
      %add3A_163 = arith.addi %mul3A_117, %add3A_162 : i32
      %dma_wait3A_164 = arith.constant 0 : i32
      %dma_wait3A_165 = arith.constant 0 : i32
      %dma_wait3A_166 = tpu.memref_slice %arg7[%add3A_163, %dma_wait3A_164, %dma_wait3A_165] : memref<80x1x128xi32, #tpu.memory_space<vmem>> -> memref<1x1x128xi32, #tpu.memory_space<vmem>>
      %dma_wait3A_167 = tpu.memref_squeeze %dma_wait3A_166 : memref<1x1x128xi32, #tpu.memory_space<vmem>> -> memref<128xi32, #tpu.memory_space<vmem>>
      %dma_wait3A_168 = arith.constant 0 : i32
      %dma_wait3A_169 = arith.constant 0 : i32
      %dma_wait3A_170 = tpu.memref_slice %arg4[%dma_wait3A_168, %dma_wait3A_169] : memref<10240x128xf32, #tpu.memory_space<hbm>> -> memref<10240x128xf32, #tpu.memory_space<hbm>>
      tpu.wait_indirect_dma semaphore(%arg14 : memref<!tpu.dma_semaphore, #tpu.memory_space<semaphore_mem>>) src(%dma_wait3A_170 : memref<10240x128xf32, #tpu.memory_space<hbm>>) dst(%arg11 : memref<128x128xf32, #tpu.memory_space<vmem>>)
      %add3A_171 = arith.constant 1 : i32
      %add3A_172 = arith.addi %mul3A_117, %add3A_171 : i32
      %add3A_173 = arith.addi %select_n3A_8, %add3A_172 : i32
      %dma_wait3A_174 = arith.constant 0 : i32
      %dma_wait3A_175 = arith.constant 0 : i32
      %dma_wait3A_176 = tpu.memref_slice %arg3[%add3A_173, %dma_wait3A_174, %dma_wait3A_175] : memref<2640x1x128xi32, #tpu.memory_space<hbm>> -> memref<1x1x128xi32, #tpu.memory_space<hbm>>
      %dma_wait3A_177 = tpu.memref_squeeze %dma_wait3A_176 : memref<1x1x128xi32, #tpu.memory_space<hbm>> -> memref<1x128xi32, #tpu.memory_space<hbm>>
      %dma_wait3A_178 = arith.constant 0 : i32
      %dma_wait3A_179 = tpu.memref_slice %arg3[%add3A_173, %dma_wait3A_174, %dma_wait3A_178] : memref<2640x1x128xi32, #tpu.memory_space<hbm>> -> memref<1x1x128xi32, #tpu.memory_space<hbm>>
      %dma_wait3A_180 = tpu.memref_squeeze %dma_wait3A_179 : memref<1x1x128xi32, #tpu.memory_space<hbm>> -> memref<1x128xi32, #tpu.memory_space<hbm>>
      tpu.wait_dma2 semaphore(%arg16 : memref<!tpu.dma_semaphore, #tpu.memory_space<semaphore_mem>>) src(%dma_wait3A_180 : memref<1x128xi32, #tpu.memory_space<hbm>>) dst(%arg9 : memref<1x128xi32, #tpu.memory_space<vmem>>)
      %run_scoped3A_181 = arith.constant 0 : i32
      "tpu.region"() ({
        %run_scoped3A_192 = tpu.sem_alloc : memref<!tpu.dma_semaphore, #tpu.memory_space<semaphore_mem>>
        %dma_start3A_193 = arith.constant 0 : i32
        %dma_start3A_194 = tpu.memref_slice %arg9[%run_scoped3A_181, %dma_start3A_193] : memref<1x128xi32, #tpu.memory_space<vmem>> -> memref<1x128xi32, #tpu.memory_space<vmem>>
        %dma_start3A_195 = tpu.memref_squeeze %dma_start3A_194 : memref<1x128xi32, #tpu.memory_space<vmem>> -> memref<128xi32, #tpu.memory_space<vmem>>
        %dma_start3A_196 = arith.constant 0 : i32
        %dma_start3A_197 = arith.constant 0 : i32
        %dma_start3A_198 = tpu.memref_slice %arg12[%dma_start3A_196, %dma_start3A_197] : memref<10240x128xf32, #tpu.memory_space<vmem_shared>> -> memref<10240x128xf32, #tpu.memory_space<vmem_shared>>
        tpu.enqueue_indirect_dma source(%arg11 : memref<128x128xf32, #tpu.memory_space<vmem>>) target(%dma_start3A_198 : memref<10240x128xf32, #tpu.memory_space<vmem_shared>>) offsets(%dma_start3A_195 : memref<128xi32, #tpu.memory_space<vmem>>) semaphore(%run_scoped3A_192 : memref<!tpu.dma_semaphore, #tpu.memory_space<semaphore_mem>>) {add = true}
        %dma_wait3A_199 = arith.constant 0 : i32
        %dma_wait3A_200 = tpu.memref_slice %arg9[%run_scoped3A_181, %dma_wait3A_199] : memref<1x128xi32, #tpu.memory_space<vmem>> -> memref<1x128xi32, #tpu.memory_space<vmem>>
        %dma_wait3A_201 = tpu.memref_squeeze %dma_wait3A_200 : memref<1x128xi32, #tpu.memory_space<vmem>> -> memref<128xi32, #tpu.memory_space<vmem>>
        %dma_wait3A_202 = arith.constant 0 : i32
        %dma_wait3A_203 = arith.constant 0 : i32
        %dma_wait3A_204 = tpu.memref_slice %arg12[%dma_wait3A_202, %dma_wait3A_203] : memref<10240x128xf32, #tpu.memory_space<vmem_shared>> -> memref<10240x128xf32, #tpu.memory_space<vmem_shared>>
        tpu.wait_indirect_dma semaphore(%run_scoped3A_192 : memref<!tpu.dma_semaphore, #tpu.memory_space<semaphore_mem>>) src(%arg11 : memref<128x128xf32, #tpu.memory_space<vmem>>) dst(%dma_wait3A_204 : memref<10240x128xf32, #tpu.memory_space<vmem_shared>>)
        tpu.yield
      }) : () -> ()
      %add3A_182 = arith.constant 3 : i32
      %add3A_183 = arith.addi %mul3A_117, %add3A_182 : i32
      %add3A_184 = arith.addi %select_n3A_8, %add3A_183 : i32
      %dma_start3A_185 = arith.constant 0 : i32
      %dma_start3A_186 = arith.constant 0 : i32
      %dma_start3A_187 = tpu.memref_slice %arg3[%add3A_184, %dma_start3A_185, %dma_start3A_186] : memref<2640x1x128xi32, #tpu.memory_space<hbm>> -> memref<1x1x128xi32, #tpu.memory_space<hbm>>
      %dma_start3A_188 = tpu.memref_squeeze %dma_start3A_187 : memref<1x1x128xi32, #tpu.memory_space<hbm>> -> memref<1x128xi32, #tpu.memory_space<hbm>>
      %dma_start3A_189 = arith.constant 0 : i32
      %dma_start3A_190 = tpu.memref_slice %arg3[%add3A_184, %dma_start3A_185, %dma_start3A_189] : memref<2640x1x128xi32, #tpu.memory_space<hbm>> -> memref<1x1x128xi32, #tpu.memory_space<hbm>>
      %dma_start3A_191 = tpu.memref_squeeze %dma_start3A_190 : memref<1x1x128xi32, #tpu.memory_space<hbm>> -> memref<1x128xi32, #tpu.memory_space<hbm>>
      tpu.enqueue_dma source(%dma_start3A_191 : memref<1x128xi32, #tpu.memory_space<hbm>>) target(%arg9 : memref<1x128xi32, #tpu.memory_space<vmem>>) target_semaphore(%arg16 : memref<!tpu.dma_semaphore, #tpu.memory_space<semaphore_mem>>)
    }
    %sub3A_65 = arith.constant 2 : i32
    %sub3A_66 = arith.subi %select_n3A, %sub3A_65 : i32
    %add3A_67 = arith.constant 1 : i32
    %add3A_68 = arith.addi %sub3A_66, %add3A_67 : i32
    %dma_start3A_69 = arith.constant 0 : i32
    %dma_start3A_70 = arith.constant 0 : i32
    %dma_start3A_71 = tpu.memref_slice %arg7[%add3A_68, %dma_start3A_69, %dma_start3A_70] : memref<80x1x128xi32, #tpu.memory_space<vmem>> -> memref<1x1x128xi32, #tpu.memory_space<vmem>>
    %dma_start3A_72 = tpu.memref_squeeze %dma_start3A_71 : memref<1x1x128xi32, #tpu.memory_space<vmem>> -> memref<128xi32, #tpu.memory_space<vmem>>
    %dma_start3A_73 = arith.constant 0 : i32
    %dma_start3A_74 = arith.constant 0 : i32
    %dma_start3A_75 = tpu.memref_slice %arg4[%dma_start3A_73, %dma_start3A_74] : memref<10240x128xf32, #tpu.memory_space<hbm>> -> memref<10240x128xf32, #tpu.memory_space<hbm>>
    tpu.enqueue_indirect_dma source(%dma_start3A_75 : memref<10240x128xf32, #tpu.memory_space<hbm>>) target(%arg11 : memref<128x128xf32, #tpu.memory_space<vmem>>) offsets(%dma_start3A_72 : memref<128xi32, #tpu.memory_space<vmem>>) semaphore(%arg14 : memref<!tpu.dma_semaphore, #tpu.memory_space<semaphore_mem>>)
    %dma_wait3A = arith.constant 0 : i32
    %dma_wait3A_76 = arith.constant 0 : i32
    %dma_wait3A_77 = tpu.memref_slice %arg7[%sub3A_66, %dma_wait3A, %dma_wait3A_76] : memref<80x1x128xi32, #tpu.memory_space<vmem>> -> memref<1x1x128xi32, #tpu.memory_space<vmem>>
    %dma_wait3A_78 = tpu.memref_squeeze %dma_wait3A_77 : memref<1x1x128xi32, #tpu.memory_space<vmem>> -> memref<128xi32, #tpu.memory_space<vmem>>
    %dma_wait3A_79 = arith.constant 0 : i32
    %dma_wait3A_80 = arith.constant 0 : i32
    %dma_wait3A_81 = tpu.memref_slice %arg4[%dma_wait3A_79, %dma_wait3A_80] : memref<10240x128xf32, #tpu.memory_space<hbm>> -> memref<10240x128xf32, #tpu.memory_space<hbm>>
    tpu.wait_indirect_dma semaphore(%arg13 : memref<!tpu.dma_semaphore, #tpu.memory_space<semaphore_mem>>) src(%dma_wait3A_81 : memref<10240x128xf32, #tpu.memory_space<hbm>>) dst(%arg10 : memref<128x128xf32, #tpu.memory_space<vmem>>)
    %add3A_82 = arith.addi %select_n3A_8, %sub3A_66 : i32
    %dma_wait3A_83 = arith.constant 0 : i32
    %dma_wait3A_84 = arith.constant 0 : i32
    %dma_wait3A_85 = tpu.memref_slice %arg3[%add3A_82, %dma_wait3A_83, %dma_wait3A_84] : memref<2640x1x128xi32, #tpu.memory_space<hbm>> -> memref<1x1x128xi32, #tpu.memory_space<hbm>>
    %dma_wait3A_86 = tpu.memref_squeeze %dma_wait3A_85 : memref<1x1x128xi32, #tpu.memory_space<hbm>> -> memref<1x128xi32, #tpu.memory_space<hbm>>
    %dma_wait3A_87 = arith.constant 0 : i32
    %dma_wait3A_88 = tpu.memref_slice %arg3[%add3A_82, %dma_wait3A_83, %dma_wait3A_87] : memref<2640x1x128xi32, #tpu.memory_space<hbm>> -> memref<1x1x128xi32, #tpu.memory_space<hbm>>
    %dma_wait3A_89 = tpu.memref_squeeze %dma_wait3A_88 : memref<1x1x128xi32, #tpu.memory_space<hbm>> -> memref<1x128xi32, #tpu.memory_space<hbm>>
    tpu.wait_dma2 semaphore(%arg15 : memref<!tpu.dma_semaphore, #tpu.memory_space<semaphore_mem>>) src(%dma_wait3A_89 : memref<1x128xi32, #tpu.memory_space<hbm>>) dst(%arg8 : memref<1x128xi32, #tpu.memory_space<vmem>>)
    %run_scoped3A = arith.constant 0 : i32
    "tpu.region"() ({
      %run_scoped3A_115 = tpu.sem_alloc : memref<!tpu.dma_semaphore, #tpu.memory_space<semaphore_mem>>
      %dma_start3A_116 = arith.constant 0 : i32
      %dma_start3A_117 = tpu.memref_slice %arg8[%run_scoped3A, %dma_start3A_116] : memref<1x128xi32, #tpu.memory_space<vmem>> -> memref<1x128xi32, #tpu.memory_space<vmem>>
      %dma_start3A_118 = tpu.memref_squeeze %dma_start3A_117 : memref<1x128xi32, #tpu.memory_space<vmem>> -> memref<128xi32, #tpu.memory_space<vmem>>
      %dma_start3A_119 = arith.constant 0 : i32
      %dma_start3A_120 = arith.constant 0 : i32
      %dma_start3A_121 = tpu.memref_slice %arg12[%dma_start3A_119, %dma_start3A_120] : memref<10240x128xf32, #tpu.memory_space<vmem_shared>> -> memref<10240x128xf32, #tpu.memory_space<vmem_shared>>
      tpu.enqueue_indirect_dma source(%arg10 : memref<128x128xf32, #tpu.memory_space<vmem>>) target(%dma_start3A_121 : memref<10240x128xf32, #tpu.memory_space<vmem_shared>>) offsets(%dma_start3A_118 : memref<128xi32, #tpu.memory_space<vmem>>) semaphore(%run_scoped3A_115 : memref<!tpu.dma_semaphore, #tpu.memory_space<semaphore_mem>>) {add = true}
      %dma_wait3A_122 = arith.constant 0 : i32
      %dma_wait3A_123 = tpu.memref_slice %arg8[%run_scoped3A, %dma_wait3A_122] : memref<1x128xi32, #tpu.memory_space<vmem>> -> memref<1x128xi32, #tpu.memory_space<vmem>>
      %dma_wait3A_124 = tpu.memref_squeeze %dma_wait3A_123 : memref<1x128xi32, #tpu.memory_space<vmem>> -> memref<128xi32, #tpu.memory_space<vmem>>
      %dma_wait3A_125 = arith.constant 0 : i32
      %dma_wait3A_126 = arith.constant 0 : i32
      %dma_wait3A_127 = tpu.memref_slice %arg12[%dma_wait3A_125, %dma_wait3A_126] : memref<10240x128xf32, #tpu.memory_space<vmem_shared>> -> memref<10240x128xf32, #tpu.memory_space<vmem_shared>>
      tpu.wait_indirect_dma semaphore(%run_scoped3A_115 : memref<!tpu.dma_semaphore, #tpu.memory_space<semaphore_mem>>) src(%arg10 : memref<128x128xf32, #tpu.memory_space<vmem>>) dst(%dma_wait3A_127 : memref<10240x128xf32, #tpu.memory_space<vmem_shared>>)
      tpu.yield
    }) : () -> ()
    %add3A_90 = arith.constant 1 : i32
    %add3A_91 = arith.addi %sub3A_66, %add3A_90 : i32
    %dma_wait3A_92 = arith.constant 0 : i32
    %dma_wait3A_93 = arith.constant 0 : i32
    %dma_wait3A_94 = tpu.memref_slice %arg7[%add3A_91, %dma_wait3A_92, %dma_wait3A_93] : memref<80x1x128xi32, #tpu.memory_space<vmem>> -> memref<1x1x128xi32, #tpu.memory_space<vmem>>
    %dma_wait3A_95 = tpu.memref_squeeze %dma_wait3A_94 : memref<1x1x128xi32, #tpu.memory_space<vmem>> -> memref<128xi32, #tpu.memory_space<vmem>>
    %dma_wait3A_96 = arith.constant 0 : i32
    %dma_wait3A_97 = arith.constant 0 : i32
    %dma_wait3A_98 = tpu.memref_slice %arg4[%dma_wait3A_96, %dma_wait3A_97] : memref<10240x128xf32, #tpu.memory_space<hbm>> -> memref<10240x128xf32, #tpu.memory_space<hbm>>
    tpu.wait_indirect_dma semaphore(%arg14 : memref<!tpu.dma_semaphore, #tpu.memory_space<semaphore_mem>>) src(%dma_wait3A_98 : memref<10240x128xf32, #tpu.memory_space<hbm>>) dst(%arg11 : memref<128x128xf32, #tpu.memory_space<vmem>>)
    %add3A_99 = arith.constant 1 : i32
    %add3A_100 = arith.addi %sub3A_66, %add3A_99 : i32
    %add3A_101 = arith.addi %select_n3A_8, %add3A_100 : i32
    %dma_wait3A_102 = arith.constant 0 : i32
    %dma_wait3A_103 = arith.constant 0 : i32
    %dma_wait3A_104 = tpu.memref_slice %arg3[%add3A_101, %dma_wait3A_102, %dma_wait3A_103] : memref<2640x1x128xi32, #tpu.memory_space<hbm>> -> memref<1x1x128xi32, #tpu.memory_space<hbm>>
    %dma_wait3A_105 = tpu.memref_squeeze %dma_wait3A_104 : memref<1x1x128xi32, #tpu.memory_space<hbm>> -> memref<1x128xi32, #tpu.memory_space<hbm>>
    %dma_wait3A_106 = arith.constant 0 : i32
    %dma_wait3A_107 = tpu.memref_slice %arg3[%add3A_101, %dma_wait3A_102, %dma_wait3A_106] : memref<2640x1x128xi32, #tpu.memory_space<hbm>> -> memref<1x1x128xi32, #tpu.memory_space<hbm>>
    %dma_wait3A_108 = tpu.memref_squeeze %dma_wait3A_107 : memref<1x1x128xi32, #tpu.memory_space<hbm>> -> memref<1x128xi32, #tpu.memory_space<hbm>>
    tpu.wait_dma2 semaphore(%arg16 : memref<!tpu.dma_semaphore, #tpu.memory_space<semaphore_mem>>) src(%dma_wait3A_108 : memref<1x128xi32, #tpu.memory_space<hbm>>) dst(%arg9 : memref<1x128xi32, #tpu.memory_space<vmem>>)
    %run_scoped3A_109 = arith.constant 0 : i32
    "tpu.region"() ({
      %run_scoped3A_115 = tpu.sem_alloc : memref<!tpu.dma_semaphore, #tpu.memory_space<semaphore_mem>>
      %dma_start3A_116 = arith.constant 0 : i32
      %dma_start3A_117 = tpu.memref_slice %arg9[%run_scoped3A_109, %dma_start3A_116] : memref<1x128xi32, #tpu.memory_space<vmem>> -> memref<1x128xi32, #tpu.memory_space<vmem>>
      %dma_start3A_118 = tpu.memref_squeeze %dma_start3A_117 : memref<1x128xi32, #tpu.memory_space<vmem>> -> memref<128xi32, #tpu.memory_space<vmem>>
      %dma_start3A_119 = arith.constant 0 : i32
      %dma_start3A_120 = arith.constant 0 : i32
      %dma_start3A_121 = tpu.memref_slice %arg12[%dma_start3A_119, %dma_start3A_120] : memref<10240x128xf32, #tpu.memory_space<vmem_shared>> -> memref<10240x128xf32, #tpu.memory_space<vmem_shared>>
      tpu.enqueue_indirect_dma source(%arg11 : memref<128x128xf32, #tpu.memory_space<vmem>>) target(%dma_start3A_121 : memref<10240x128xf32, #tpu.memory_space<vmem_shared>>) offsets(%dma_start3A_118 : memref<128xi32, #tpu.memory_space<vmem>>) semaphore(%run_scoped3A_115 : memref<!tpu.dma_semaphore, #tpu.memory_space<semaphore_mem>>) {add = true}
      %dma_wait3A_122 = arith.constant 0 : i32
      %dma_wait3A_123 = tpu.memref_slice %arg9[%run_scoped3A_109, %dma_wait3A_122] : memref<1x128xi32, #tpu.memory_space<vmem>> -> memref<1x128xi32, #tpu.memory_space<vmem>>
      %dma_wait3A_124 = tpu.memref_squeeze %dma_wait3A_123 : memref<1x128xi32, #tpu.memory_space<vmem>> -> memref<128xi32, #tpu.memory_space<vmem>>
      %dma_wait3A_125 = arith.constant 0 : i32
      %dma_wait3A_126 = arith.constant 0 : i32
      %dma_wait3A_127 = tpu.memref_slice %arg12[%dma_wait3A_125, %dma_wait3A_126] : memref<10240x128xf32, #tpu.memory_space<vmem_shared>> -> memref<10240x128xf32, #tpu.memory_space<vmem_shared>>
      tpu.wait_indirect_dma semaphore(%run_scoped3A_115 : memref<!tpu.dma_semaphore, #tpu.memory_space<semaphore_mem>>) src(%arg11 : memref<128x128xf32, #tpu.memory_space<vmem>>) dst(%dma_wait3A_127 : memref<10240x128xf32, #tpu.memory_space<vmem_shared>>)
      tpu.yield
    }) : () -> ()
    %barrier3A_110 = arith.constant 0 : index
    tpu.barrier barrier_id(%barrier3A_110)
    %mul3A_111 = arith.constant 640 : i32
    %mul3A_112 = arith.muli %arg1, %mul3A_111 : i32
    %mul3A_113 = arith.constant 640 : i32
    %mul3A_114 = arith.muli %arg1, %mul3A_113 : i32
    "tpu.region"() ({
      %run_scoped3A_115 = tpu.sem_alloc : memref<!tpu.dma_semaphore, #tpu.memory_space<semaphore_mem>>
      %dma_start3A_116 = arith.constant 0 : i32
      %dma_start3A_117 = tpu.memref_slice %arg6[%arg0, %mul3A_114, %dma_start3A_116] : memref<2x10240x128xf32, #tpu.memory_space<hbm>> -> memref<1x640x128xf32, #tpu.memory_space<hbm>>
      %dma_start3A_118 = tpu.memref_squeeze %dma_start3A_117 : memref<1x640x128xf32, #tpu.memory_space<hbm>> -> memref<640x128xf32, #tpu.memory_space<hbm>>
      %dma_start3A_119 = arith.constant 0 : i32
      %dma_start3A_120 = tpu.memref_slice %arg12[%mul3A_112, %dma_start3A_119] : memref<10240x128xf32, #tpu.memory_space<vmem_shared>> -> memref<640x128xf32, #tpu.memory_space<vmem_shared>>
      tpu.enqueue_dma source(%dma_start3A_120 : memref<640x128xf32, #tpu.memory_space<vmem_shared>>) target(%dma_start3A_118 : memref<640x128xf32, #tpu.memory_space<hbm>>) target_semaphore(%run_scoped3A_115 : memref<!tpu.dma_semaphore, #tpu.memory_space<semaphore_mem>>)
      %dma_wait3A_121 = arith.constant 0 : i32
      %dma_wait3A_122 = tpu.memref_slice %arg6[%arg0, %mul3A_114, %dma_wait3A_121] : memref<2x10240x128xf32, #tpu.memory_space<hbm>> -> memref<1x640x128xf32, #tpu.memory_space<hbm>>
      %dma_wait3A_123 = tpu.memref_squeeze %dma_wait3A_122 : memref<1x640x128xf32, #tpu.memory_space<hbm>> -> memref<640x128xf32, #tpu.memory_space<hbm>>
      %dma_wait3A_124 = arith.constant 0 : i32
      %dma_wait3A_125 = tpu.memref_slice %arg12[%mul3A_112, %dma_wait3A_124] : memref<10240x128xf32, #tpu.memory_space<vmem_shared>> -> memref<640x128xf32, #tpu.memory_space<vmem_shared>>
      tpu.wait_dma2 semaphore(%run_scoped3A_115 : memref<!tpu.dma_semaphore, #tpu.memory_space<semaphore_mem>>) src(%dma_wait3A_125 : memref<640x128xf32, #tpu.memory_space<vmem_shared>>) dst(%dma_wait3A_123 : memref<640x128xf32, #tpu.memory_space<hbm>>)
      tpu.yield
    }) : () -> ()
    return
  }
}

#map = affine_map<(d0, d1) -> (0, 0, 0)>
#map1 = affine_map<(d0, d1) -> (0, 0)>
module attributes {stable_mosaic.version = 14 : i64} {
  func.func @_sc_aggregate_body(%arg0: i32, %arg1: i32, %arg2: memref<2640x1x128xi32, #tpu.memory_space<hbm>>, %arg3: memref<2640x1x128xi32, #tpu.memory_space<hbm>>, %arg4: memref<10240x128xf32, #tpu.memory_space<hbm>>, %arg5: memref<640x128xf32, #tpu.memory_space<hbm>>, %arg6: memref<2x10240x128xf32, #tpu.memory_space<hbm>>, %arg7: memref<80x1x128xi32, #tpu.memory_space<vmem>>, %arg8: memref<1x128xi32, #tpu.memory_space<vmem>>, %arg9: memref<1x128xi32, #tpu.memory_space<vmem>>, %arg10: memref<128x128xf32, #tpu.memory_space<vmem>>, %arg11: memref<128x128xf32, #tpu.memory_space<vmem>>, %arg12: memref<10240x128xf32, #tpu.memory_space<vmem_shared>>, %arg13: memref<!tpu.dma_semaphore, #tpu.memory_space<semaphore_mem>>, %arg14: memref<!tpu.dma_semaphore, #tpu.memory_space<semaphore_mem>>, %arg15: memref<!tpu.dma_semaphore, #tpu.memory_space<semaphore_mem>>, %arg16: memref<!tpu.dma_semaphore, #tpu.memory_space<semaphore_mem>>) attributes {dimension_semantics = [#tpu.dimension_semantics<core_parallel>, #tpu.dimension_semantics<subcore_parallel>], iteration_bounds = array<i64: 2, 16>, scalar_prefetch = 0 : i64, scratch_operands = 10 : i64, tpu.core_type = #tpu.core_type<sc_vector_subcore>, window_params = [{transform_indices = #map}, {transform_indices = #map}, {transform_indices = #map1}, {transform_indices = #map1}, {transform_indices = #map}]} {
    %eq3A = arith.constant 0 : i32
    %eq3A_0 = arith.cmpi eq, %arg0, %eq3A : i32
    %jit3A = arith.constant 80 : i32
    %jit3A_1 = arith.constant 80 : i32
    %select_n3A = arith.select %eq3A_0, %jit3A, %jit3A_1 : i32
    %eq3A_2 = arith.constant 0 : i32
    %eq3A_3 = arith.cmpi eq, %arg0, %eq3A_2 : i32
    %mul3A = arith.constant 80 : i32
    %mul3A_4 = arith.muli %arg1, %mul3A : i32
    %mul3A_5 = arith.constant 80 : i32
    %mul3A_6 = arith.muli %arg1, %mul3A_5 : i32
    %add3A = arith.constant 1280 : i32
    %add3A_7 = arith.addi %add3A, %mul3A_6 : i32
    %select_n3A_8 = arith.select %eq3A_3, %mul3A_4, %add3A_7 : i32
    %mul3A_9 = arith.constant 640 : i32
    %mul3A_10 = arith.muli %arg1, %mul3A_9 : i32
    "tpu.region"() ({
      %run_scoped3A_115 = tpu.sem_alloc : memref<!tpu.dma_semaphore, #tpu.memory_space<semaphore_mem>>
      %dma_start3A_116 = arith.constant 0 : i32
      %dma_start3A_117 = tpu.memref_slice %arg12[%mul3A_10, %dma_start3A_116] : memref<10240x128xf32, #tpu.memory_space<vmem_shared>> -> memref<640x128xf32, #tpu.memory_space<vmem_shared>>
      tpu.enqueue_dma source(%arg5 : memref<640x128xf32, #tpu.memory_space<hbm>>) target(%dma_start3A_117 : memref<640x128xf32, #tpu.memory_space<vmem_shared>>) target_semaphore(%run_scoped3A_115 : memref<!tpu.dma_semaphore, #tpu.memory_space<semaphore_mem>>)
      %dma_wait3A_118 = arith.constant 0 : i32
      %dma_wait3A_119 = tpu.memref_slice %arg12[%mul3A_10, %dma_wait3A_118] : memref<10240x128xf32, #tpu.memory_space<vmem_shared>> -> memref<640x128xf32, #tpu.memory_space<vmem_shared>>
      tpu.wait_dma2 semaphore(%run_scoped3A_115 : memref<!tpu.dma_semaphore, #tpu.memory_space<semaphore_mem>>) src(%arg5 : memref<640x128xf32, #tpu.memory_space<hbm>>) dst(%dma_wait3A_119 : memref<640x128xf32, #tpu.memory_space<vmem_shared>>)
      tpu.yield
    }) : () -> ()
    "tpu.region"() ({
      %run_scoped3A_115 = tpu.sem_alloc : memref<!tpu.dma_semaphore, #tpu.memory_space<semaphore_mem>>
      %dma_start3A_116 = arith.constant 0 : i32
      %dma_start3A_117 = arith.constant 0 : i32
      %dma_start3A_118 = tpu.memref_slice %arg2[%select_n3A_8, %dma_start3A_116, %dma_start3A_117] : memref<2640x1x128xi32, #tpu.memory_space<hbm>> -> memref<80x1x128xi32, #tpu.memory_space<hbm>>
      %dma_start3A_119 = arith.constant 0 : i32
      %dma_start3A_120 = arith.constant 0 : i32
      %dma_start3A_121 = tpu.memref_slice %arg2[%select_n3A_8, %dma_start3A_119, %dma_start3A_120] : memref<2640x1x128xi32, #tpu.memory_space<hbm>> -> memref<80x1x128xi32, #tpu.memory_space<hbm>>
      tpu.enqueue_dma source(%dma_start3A_121 : memref<80x1x128xi32, #tpu.memory_space<hbm>>) target(%arg7 : memref<80x1x128xi32, #tpu.memory_space<vmem>>) target_semaphore(%run_scoped3A_115 : memref<!tpu.dma_semaphore, #tpu.memory_space<semaphore_mem>>)
      %dma_wait3A_122 = arith.constant 0 : i32
      %dma_wait3A_123 = arith.constant 0 : i32
      %dma_wait3A_124 = tpu.memref_slice %arg2[%select_n3A_8, %dma_wait3A_122, %dma_wait3A_123] : memref<2640x1x128xi32, #tpu.memory_space<hbm>> -> memref<80x1x128xi32, #tpu.memory_space<hbm>>
      %dma_wait3A_125 = arith.constant 0 : i32
      %dma_wait3A_126 = arith.constant 0 : i32
      %dma_wait3A_127 = tpu.memref_slice %arg2[%select_n3A_8, %dma_wait3A_125, %dma_wait3A_126] : memref<2640x1x128xi32, #tpu.memory_space<hbm>> -> memref<80x1x128xi32, #tpu.memory_space<hbm>>
      tpu.wait_dma2 semaphore(%run_scoped3A_115 : memref<!tpu.dma_semaphore, #tpu.memory_space<semaphore_mem>>) src(%dma_wait3A_127 : memref<80x1x128xi32, #tpu.memory_space<hbm>>) dst(%arg7 : memref<80x1x128xi32, #tpu.memory_space<vmem>>)
      tpu.yield
    }) : () -> ()
    %barrier3A = arith.constant 0 : index
    tpu.barrier barrier_id(%barrier3A)
    %add3A_11 = arith.constant 0 : i32
    %add3A_12 = arith.addi %select_n3A_8, %add3A_11 : i32
    %dma_start3A = arith.constant 0 : i32
    %dma_start3A_13 = arith.constant 0 : i32
    %dma_start3A_14 = tpu.memref_slice %arg3[%add3A_12, %dma_start3A, %dma_start3A_13] : memref<2640x1x128xi32, #tpu.memory_space<hbm>> -> memref<1x1x128xi32, #tpu.memory_space<hbm>>
    %dma_start3A_15 = tpu.memref_squeeze %dma_start3A_14 : memref<1x1x128xi32, #tpu.memory_space<hbm>> -> memref<1x128xi32, #tpu.memory_space<hbm>>
    %dma_start3A_16 = arith.constant 0 : i32
    %dma_start3A_17 = tpu.memref_slice %arg3[%add3A_12, %dma_start3A, %dma_start3A_16] : memref<2640x1x128xi32, #tpu.memory_space<hbm>> -> memref<1x1x128xi32, #tpu.memory_space<hbm>>
    %dma_start3A_18 = tpu.memref_squeeze %dma_start3A_17 : memref<1x1x128xi32, #tpu.memory_space<hbm>> -> memref<1x128xi32, #tpu.memory_space<hbm>>
    tpu.enqueue_dma source(%dma_start3A_18 : memref<1x128xi32, #tpu.memory_space<hbm>>) target(%arg8 : memref<1x128xi32, #tpu.memory_space<vmem>>) target_semaphore(%arg15 : memref<!tpu.dma_semaphore, #tpu.memory_space<semaphore_mem>>)
    %add3A_19 = arith.constant 1 : i32
    %add3A_20 = arith.addi %select_n3A_8, %add3A_19 : i32
    %dma_start3A_21 = arith.constant 0 : i32
    %dma_start3A_22 = arith.constant 0 : i32
    %dma_start3A_23 = tpu.memref_slice %arg3[%add3A_20, %dma_start3A_21, %dma_start3A_22] : memref<2640x1x128xi32, #tpu.memory_space<hbm>> -> memref<1x1x128xi32, #tpu.memory_space<hbm>>
    %dma_start3A_24 = tpu.memref_squeeze %dma_start3A_23 : memref<1x1x128xi32, #tpu.memory_space<hbm>> -> memref<1x128xi32, #tpu.memory_space<hbm>>
    %dma_start3A_25 = arith.constant 0 : i32
    %dma_start3A_26 = tpu.memref_slice %arg3[%add3A_20, %dma_start3A_21, %dma_start3A_25] : memref<2640x1x128xi32, #tpu.memory_space<hbm>> -> memref<1x1x128xi32, #tpu.memory_space<hbm>>
    %dma_start3A_27 = tpu.memref_squeeze %dma_start3A_26 : memref<1x1x128xi32, #tpu.memory_space<hbm>> -> memref<1x128xi32, #tpu.memory_space<hbm>>
    tpu.enqueue_dma source(%dma_start3A_27 : memref<1x128xi32, #tpu.memory_space<hbm>>) target(%arg9 : memref<1x128xi32, #tpu.memory_space<vmem>>) target_semaphore(%arg16 : memref<!tpu.dma_semaphore, #tpu.memory_space<semaphore_mem>>)
    %dma_start3A_28 = arith.constant 0 : i32
    %dma_start3A_29 = arith.constant 0 : i32
    %dma_start3A_30 = arith.constant 0 : i32
    %dma_start3A_31 = tpu.memref_slice %arg7[%dma_start3A_28, %dma_start3A_29, %dma_start3A_30] : memref<80x1x128xi32, #tpu.memory_space<vmem>> -> memref<1x1x128xi32, #tpu.memory_space<vmem>>
    %dma_start3A_32 = tpu.memref_squeeze %dma_start3A_31 : memref<1x1x128xi32, #tpu.memory_space<vmem>> -> memref<128xi32, #tpu.memory_space<vmem>>
    %dma_start3A_33 = arith.constant 0 : i32
    %dma_start3A_34 = arith.constant 0 : i32
    %dma_start3A_35 = tpu.memref_slice %arg4[%dma_start3A_33, %dma_start3A_34] : memref<10240x128xf32, #tpu.memory_space<hbm>> -> memref<10240x128xf32, #tpu.memory_space<hbm>>
    tpu.enqueue_indirect_dma source(%dma_start3A_35 : memref<10240x128xf32, #tpu.memory_space<hbm>>) target(%arg10 : memref<128x128xf32, #tpu.memory_space<vmem>>) offsets(%dma_start3A_32 : memref<128xi32, #tpu.memory_space<vmem>>) semaphore(%arg13 : memref<!tpu.dma_semaphore, #tpu.memory_space<semaphore_mem>>)
    %jit3A_36 = arith.constant 2 : i32
    %div3A = arith.divsi %select_n3A, %jit3A_36 : i32
    %sign3A = arith.constant 0 : i32
    %sign3A_37 = arith.cmpi sgt, %select_n3A, %sign3A : i32
    %sign3A_38 = arith.extui %sign3A_37 : i1 to i32
    %sign3A_39 = arith.constant 0 : i32
    %sign3A_40 = arith.cmpi slt, %select_n3A, %sign3A_39 : i32
    %sign3A_41 = arith.extui %sign3A_40 : i1 to i32
    %sign3A_42 = arith.subi %sign3A_38, %sign3A_41 : i32
    %sign3A_43 = arith.constant 0 : i32
    %sign3A_44 = arith.cmpi sgt, %jit3A_36, %sign3A_43 : i32
    %sign3A_45 = arith.extui %sign3A_44 : i1 to i32
    %sign3A_46 = arith.constant 0 : i32
    %sign3A_47 = arith.cmpi slt, %jit3A_36, %sign3A_46 : i32
    %sign3A_48 = arith.extui %sign3A_47 : i1 to i32
    %sign3A_49 = arith.subi %sign3A_45, %sign3A_48 : i32
    %ne3A = arith.cmpi ne, %sign3A_42, %sign3A_49 : i32
    %rem3A = arith.remsi %select_n3A, %jit3A_36 : i32
    %ne3A_50 = arith.constant 0 : i32
    %ne3A_51 = arith.cmpi ne, %rem3A, %ne3A_50 : i32
    %and3A = arith.andi %ne3A, %ne3A_51 : i1
    %sub3A = arith.constant 1 : i32
    %sub3A_52 = arith.subi %div3A, %sub3A : i32
    %select_n3A_53 = arith.select %and3A, %sub3A_52, %div3A : i32
    %sub3A_54 = arith.constant 1 : i32
    %sub3A_55 = arith.subi %select_n3A_53, %sub3A_54 : i32
    %while3A = arith.constant 0 : i32
    %while3A_56 = arith.constant 0 : i32
    %while3A_57 = arith.subi %sub3A_55, %while3A_56 : i32
    %while3A_58 = arith.addi %while3A_56, %while3A_57 : i32
    %while3A_59 = arith.constant 1 : i32
    %while3A_60 = arith.divsi %while3A_57, %while3A_59 : i32
    %while3A_61 = arith.muli %while3A_60, %while3A_59 : i32
    %while3A_62 = arith.addi %while3A_56, %while3A_61 : i32
    %while3A_63 = arith.constant 1 : i32
    scf.for %while3A_115 = %while3A_56 to %while3A_62 step %while3A_63  : i32 {
      %mul3A_116 = arith.constant 2 : i32
      %mul3A_117 = arith.muli %mul3A_116, %while3A_115 : i32
      %add3A_118 = arith.constant 1 : i32
      %add3A_119 = arith.addi %mul3A_117, %add3A_118 : i32
      %dma_start3A_120 = arith.constant 0 : i32
      %dma_start3A_121 = arith.constant 0 : i32
      %dma_start3A_122 = tpu.memref_slice %arg7[%add3A_119, %dma_start3A_120, %dma_start3A_121] : memref<80x1x128xi32, #tpu.memory_space<vmem>> -> memref<1x1x128xi32, #tpu.memory_space<vmem>>
      %dma_start3A_123 = tpu.memref_squeeze %dma_start3A_122 : memref<1x1x128xi32, #tpu.memory_space<vmem>> -> memref<128xi32, #tpu.memory_space<vmem>>
      %dma_start3A_124 = arith.constant 0 : i32
      %dma_start3A_125 = arith.constant 0 : i32
      %dma_start3A_126 = tpu.memref_slice %arg4[%dma_start3A_124, %dma_start3A_125] : memref<10240x128xf32, #tpu.memory_space<hbm>> -> memref<10240x128xf32, #tpu.memory_space<hbm>>
      tpu.enqueue_indirect_dma source(%dma_start3A_126 : memref<10240x128xf32, #tpu.memory_space<hbm>>) target(%arg11 : memref<128x128xf32, #tpu.memory_space<vmem>>) offsets(%dma_start3A_123 : memref<128xi32, #tpu.memory_space<vmem>>) semaphore(%arg14 : memref<!tpu.dma_semaphore, #tpu.memory_space<semaphore_mem>>)
      %dma_wait3A_127 = arith.constant 0 : i32
      %dma_wait3A_128 = arith.constant 0 : i32
      %dma_wait3A_129 = tpu.memref_slice %arg7[%mul3A_117, %dma_wait3A_127, %dma_wait3A_128] : memref<80x1x128xi32, #tpu.memory_space<vmem>> -> memref<1x1x128xi32, #tpu.memory_space<vmem>>
      %dma_wait3A_130 = tpu.memref_squeeze %dma_wait3A_129 : memref<1x1x128xi32, #tpu.memory_space<vmem>> -> memref<128xi32, #tpu.memory_space<vmem>>
      %dma_wait3A_131 = arith.constant 0 : i32
      %dma_wait3A_132 = arith.constant 0 : i32
      %dma_wait3A_133 = tpu.memref_slice %arg4[%dma_wait3A_131, %dma_wait3A_132] : memref<10240x128xf32, #tpu.memory_space<hbm>> -> memref<10240x128xf32, #tpu.memory_space<hbm>>
      tpu.wait_indirect_dma semaphore(%arg13 : memref<!tpu.dma_semaphore, #tpu.memory_space<semaphore_mem>>) src(%dma_wait3A_133 : memref<10240x128xf32, #tpu.memory_space<hbm>>) dst(%arg10 : memref<128x128xf32, #tpu.memory_space<vmem>>)
      %add3A_134 = arith.addi %select_n3A_8, %mul3A_117 : i32
      %dma_wait3A_135 = arith.constant 0 : i32
      %dma_wait3A_136 = arith.constant 0 : i32
      %dma_wait3A_137 = tpu.memref_slice %arg3[%add3A_134, %dma_wait3A_135, %dma_wait3A_136] : memref<2640x1x128xi32, #tpu.memory_space<hbm>> -> memref<1x1x128xi32, #tpu.memory_space<hbm>>
      %dma_wait3A_138 = tpu.memref_squeeze %dma_wait3A_137 : memref<1x1x128xi32, #tpu.memory_space<hbm>> -> memref<1x128xi32, #tpu.memory_space<hbm>>
      %dma_wait3A_139 = arith.constant 0 : i32
      %dma_wait3A_140 = tpu.memref_slice %arg3[%add3A_134, %dma_wait3A_135, %dma_wait3A_139] : memref<2640x1x128xi32, #tpu.memory_space<hbm>> -> memref<1x1x128xi32, #tpu.memory_space<hbm>>
      %dma_wait3A_141 = tpu.memref_squeeze %dma_wait3A_140 : memref<1x1x128xi32, #tpu.memory_space<hbm>> -> memref<1x128xi32, #tpu.memory_space<hbm>>
      tpu.wait_dma2 semaphore(%arg15 : memref<!tpu.dma_semaphore, #tpu.memory_space<semaphore_mem>>) src(%dma_wait3A_141 : memref<1x128xi32, #tpu.memory_space<hbm>>) dst(%arg8 : memref<1x128xi32, #tpu.memory_space<vmem>>)
      %run_scoped3A_142 = arith.constant 0 : i32
      "tpu.region"() ({
        %run_scoped3A_192 = tpu.sem_alloc : memref<!tpu.dma_semaphore, #tpu.memory_space<semaphore_mem>>
        %dma_start3A_193 = arith.constant 0 : i32
        %dma_start3A_194 = tpu.memref_slice %arg8[%run_scoped3A_142, %dma_start3A_193] : memref<1x128xi32, #tpu.memory_space<vmem>> -> memref<1x128xi32, #tpu.memory_space<vmem>>
        %dma_start3A_195 = tpu.memref_squeeze %dma_start3A_194 : memref<1x128xi32, #tpu.memory_space<vmem>> -> memref<128xi32, #tpu.memory_space<vmem>>
        %dma_start3A_196 = arith.constant 0 : i32
        %dma_start3A_197 = arith.constant 0 : i32
        %dma_start3A_198 = tpu.memref_slice %arg12[%dma_start3A_196, %dma_start3A_197] : memref<10240x128xf32, #tpu.memory_space<vmem_shared>> -> memref<10240x128xf32, #tpu.memory_space<vmem_shared>>
        tpu.enqueue_indirect_dma source(%arg10 : memref<128x128xf32, #tpu.memory_space<vmem>>) target(%dma_start3A_198 : memref<10240x128xf32, #tpu.memory_space<vmem_shared>>) offsets(%dma_start3A_195 : memref<128xi32, #tpu.memory_space<vmem>>) semaphore(%run_scoped3A_192 : memref<!tpu.dma_semaphore, #tpu.memory_space<semaphore_mem>>) {add = true}
        %dma_wait3A_199 = arith.constant 0 : i32
        %dma_wait3A_200 = tpu.memref_slice %arg8[%run_scoped3A_142, %dma_wait3A_199] : memref<1x128xi32, #tpu.memory_space<vmem>> -> memref<1x128xi32, #tpu.memory_space<vmem>>
        %dma_wait3A_201 = tpu.memref_squeeze %dma_wait3A_200 : memref<1x128xi32, #tpu.memory_space<vmem>> -> memref<128xi32, #tpu.memory_space<vmem>>
        %dma_wait3A_202 = arith.constant 0 : i32
        %dma_wait3A_203 = arith.constant 0 : i32
        %dma_wait3A_204 = tpu.memref_slice %arg12[%dma_wait3A_202, %dma_wait3A_203] : memref<10240x128xf32, #tpu.memory_space<vmem_shared>> -> memref<10240x128xf32, #tpu.memory_space<vmem_shared>>
        tpu.wait_indirect_dma semaphore(%run_scoped3A_192 : memref<!tpu.dma_semaphore, #tpu.memory_space<semaphore_mem>>) src(%arg10 : memref<128x128xf32, #tpu.memory_space<vmem>>) dst(%dma_wait3A_204 : memref<10240x128xf32, #tpu.memory_space<vmem_shared>>)
        tpu.yield
      }) : () -> ()
      %add3A_143 = arith.constant 2 : i32
      %add3A_144 = arith.addi %mul3A_117, %add3A_143 : i32
      %add3A_145 = arith.addi %select_n3A_8, %add3A_144 : i32
      %dma_start3A_146 = arith.constant 0 : i32
      %dma_start3A_147 = arith.constant 0 : i32
      %dma_start3A_148 = tpu.memref_slice %arg3[%add3A_145, %dma_start3A_146, %dma_start3A_147] : memref<2640x1x128xi32, #tpu.memory_space<hbm>> -> memref<1x1x128xi32, #tpu.memory_space<hbm>>
      %dma_start3A_149 = tpu.memref_squeeze %dma_start3A_148 : memref<1x1x128xi32, #tpu.memory_space<hbm>> -> memref<1x128xi32, #tpu.memory_space<hbm>>
      %dma_start3A_150 = arith.constant 0 : i32
      %dma_start3A_151 = tpu.memref_slice %arg3[%add3A_145, %dma_start3A_146, %dma_start3A_150] : memref<2640x1x128xi32, #tpu.memory_space<hbm>> -> memref<1x1x128xi32, #tpu.memory_space<hbm>>
      %dma_start3A_152 = tpu.memref_squeeze %dma_start3A_151 : memref<1x1x128xi32, #tpu.memory_space<hbm>> -> memref<1x128xi32, #tpu.memory_space<hbm>>
      tpu.enqueue_dma source(%dma_start3A_152 : memref<1x128xi32, #tpu.memory_space<hbm>>) target(%arg8 : memref<1x128xi32, #tpu.memory_space<vmem>>) target_semaphore(%arg15 : memref<!tpu.dma_semaphore, #tpu.memory_space<semaphore_mem>>)
      %add3A_153 = arith.constant 2 : i32
      %add3A_154 = arith.addi %mul3A_117, %add3A_153 : i32
      %dma_start3A_155 = arith.constant 0 : i32
      %dma_start3A_156 = arith.constant 0 : i32
      %dma_start3A_157 = tpu.memref_slice %arg7[%add3A_154, %dma_start3A_155, %dma_start3A_156] : memref<80x1x128xi32, #tpu.memory_space<vmem>> -> memref<1x1x128xi32, #tpu.memory_space<vmem>>
      %dma_start3A_158 = tpu.memref_squeeze %dma_start3A_157 : memref<1x1x128xi32, #tpu.memory_space<vmem>> -> memref<128xi32, #tpu.memory_space<vmem>>
      %dma_start3A_159 = arith.constant 0 : i32
      %dma_start3A_160 = arith.constant 0 : i32
      %dma_start3A_161 = tpu.memref_slice %arg4[%dma_start3A_159, %dma_start3A_160] : memref<10240x128xf32, #tpu.memory_space<hbm>> -> memref<10240x128xf32, #tpu.memory_space<hbm>>
      tpu.enqueue_indirect_dma source(%dma_start3A_161 : memref<10240x128xf32, #tpu.memory_space<hbm>>) target(%arg10 : memref<128x128xf32, #tpu.memory_space<vmem>>) offsets(%dma_start3A_158 : memref<128xi32, #tpu.memory_space<vmem>>) semaphore(%arg13 : memref<!tpu.dma_semaphore, #tpu.memory_space<semaphore_mem>>)
      %add3A_162 = arith.constant 1 : i32
      %add3A_163 = arith.addi %mul3A_117, %add3A_162 : i32
      %dma_wait3A_164 = arith.constant 0 : i32
      %dma_wait3A_165 = arith.constant 0 : i32
      %dma_wait3A_166 = tpu.memref_slice %arg7[%add3A_163, %dma_wait3A_164, %dma_wait3A_165] : memref<80x1x128xi32, #tpu.memory_space<vmem>> -> memref<1x1x128xi32, #tpu.memory_space<vmem>>
      %dma_wait3A_167 = tpu.memref_squeeze %dma_wait3A_166 : memref<1x1x128xi32, #tpu.memory_space<vmem>> -> memref<128xi32, #tpu.memory_space<vmem>>
      %dma_wait3A_168 = arith.constant 0 : i32
      %dma_wait3A_169 = arith.constant 0 : i32
      %dma_wait3A_170 = tpu.memref_slice %arg4[%dma_wait3A_168, %dma_wait3A_169] : memref<10240x128xf32, #tpu.memory_space<hbm>> -> memref<10240x128xf32, #tpu.memory_space<hbm>>
      tpu.wait_indirect_dma semaphore(%arg14 : memref<!tpu.dma_semaphore, #tpu.memory_space<semaphore_mem>>) src(%dma_wait3A_170 : memref<10240x128xf32, #tpu.memory_space<hbm>>) dst(%arg11 : memref<128x128xf32, #tpu.memory_space<vmem>>)
      %add3A_171 = arith.constant 1 : i32
      %add3A_172 = arith.addi %mul3A_117, %add3A_171 : i32
      %add3A_173 = arith.addi %select_n3A_8, %add3A_172 : i32
      %dma_wait3A_174 = arith.constant 0 : i32
      %dma_wait3A_175 = arith.constant 0 : i32
      %dma_wait3A_176 = tpu.memref_slice %arg3[%add3A_173, %dma_wait3A_174, %dma_wait3A_175] : memref<2640x1x128xi32, #tpu.memory_space<hbm>> -> memref<1x1x128xi32, #tpu.memory_space<hbm>>
      %dma_wait3A_177 = tpu.memref_squeeze %dma_wait3A_176 : memref<1x1x128xi32, #tpu.memory_space<hbm>> -> memref<1x128xi32, #tpu.memory_space<hbm>>
      %dma_wait3A_178 = arith.constant 0 : i32
      %dma_wait3A_179 = tpu.memref_slice %arg3[%add3A_173, %dma_wait3A_174, %dma_wait3A_178] : memref<2640x1x128xi32, #tpu.memory_space<hbm>> -> memref<1x1x128xi32, #tpu.memory_space<hbm>>
      %dma_wait3A_180 = tpu.memref_squeeze %dma_wait3A_179 : memref<1x1x128xi32, #tpu.memory_space<hbm>> -> memref<1x128xi32, #tpu.memory_space<hbm>>
      tpu.wait_dma2 semaphore(%arg16 : memref<!tpu.dma_semaphore, #tpu.memory_space<semaphore_mem>>) src(%dma_wait3A_180 : memref<1x128xi32, #tpu.memory_space<hbm>>) dst(%arg9 : memref<1x128xi32, #tpu.memory_space<vmem>>)
      %run_scoped3A_181 = arith.constant 0 : i32
      "tpu.region"() ({
        %run_scoped3A_192 = tpu.sem_alloc : memref<!tpu.dma_semaphore, #tpu.memory_space<semaphore_mem>>
        %dma_start3A_193 = arith.constant 0 : i32
        %dma_start3A_194 = tpu.memref_slice %arg9[%run_scoped3A_181, %dma_start3A_193] : memref<1x128xi32, #tpu.memory_space<vmem>> -> memref<1x128xi32, #tpu.memory_space<vmem>>
        %dma_start3A_195 = tpu.memref_squeeze %dma_start3A_194 : memref<1x128xi32, #tpu.memory_space<vmem>> -> memref<128xi32, #tpu.memory_space<vmem>>
        %dma_start3A_196 = arith.constant 0 : i32
        %dma_start3A_197 = arith.constant 0 : i32
        %dma_start3A_198 = tpu.memref_slice %arg12[%dma_start3A_196, %dma_start3A_197] : memref<10240x128xf32, #tpu.memory_space<vmem_shared>> -> memref<10240x128xf32, #tpu.memory_space<vmem_shared>>
        tpu.enqueue_indirect_dma source(%arg11 : memref<128x128xf32, #tpu.memory_space<vmem>>) target(%dma_start3A_198 : memref<10240x128xf32, #tpu.memory_space<vmem_shared>>) offsets(%dma_start3A_195 : memref<128xi32, #tpu.memory_space<vmem>>) semaphore(%run_scoped3A_192 : memref<!tpu.dma_semaphore, #tpu.memory_space<semaphore_mem>>) {add = true}
        %dma_wait3A_199 = arith.constant 0 : i32
        %dma_wait3A_200 = tpu.memref_slice %arg9[%run_scoped3A_181, %dma_wait3A_199] : memref<1x128xi32, #tpu.memory_space<vmem>> -> memref<1x128xi32, #tpu.memory_space<vmem>>
        %dma_wait3A_201 = tpu.memref_squeeze %dma_wait3A_200 : memref<1x128xi32, #tpu.memory_space<vmem>> -> memref<128xi32, #tpu.memory_space<vmem>>
        %dma_wait3A_202 = arith.constant 0 : i32
        %dma_wait3A_203 = arith.constant 0 : i32
        %dma_wait3A_204 = tpu.memref_slice %arg12[%dma_wait3A_202, %dma_wait3A_203] : memref<10240x128xf32, #tpu.memory_space<vmem_shared>> -> memref<10240x128xf32, #tpu.memory_space<vmem_shared>>
        tpu.wait_indirect_dma semaphore(%run_scoped3A_192 : memref<!tpu.dma_semaphore, #tpu.memory_space<semaphore_mem>>) src(%arg11 : memref<128x128xf32, #tpu.memory_space<vmem>>) dst(%dma_wait3A_204 : memref<10240x128xf32, #tpu.memory_space<vmem_shared>>)
        tpu.yield
      }) : () -> ()
      %add3A_182 = arith.constant 3 : i32
      %add3A_183 = arith.addi %mul3A_117, %add3A_182 : i32
      %add3A_184 = arith.addi %select_n3A_8, %add3A_183 : i32
      %dma_start3A_185 = arith.constant 0 : i32
      %dma_start3A_186 = arith.constant 0 : i32
      %dma_start3A_187 = tpu.memref_slice %arg3[%add3A_184, %dma_start3A_185, %dma_start3A_186] : memref<2640x1x128xi32, #tpu.memory_space<hbm>> -> memref<1x1x128xi32, #tpu.memory_space<hbm>>
      %dma_start3A_188 = tpu.memref_squeeze %dma_start3A_187 : memref<1x1x128xi32, #tpu.memory_space<hbm>> -> memref<1x128xi32, #tpu.memory_space<hbm>>
      %dma_start3A_189 = arith.constant 0 : i32
      %dma_start3A_190 = tpu.memref_slice %arg3[%add3A_184, %dma_start3A_185, %dma_start3A_189] : memref<2640x1x128xi32, #tpu.memory_space<hbm>> -> memref<1x1x128xi32, #tpu.memory_space<hbm>>
      %dma_start3A_191 = tpu.memref_squeeze %dma_start3A_190 : memref<1x1x128xi32, #tpu.memory_space<hbm>> -> memref<1x128xi32, #tpu.memory_space<hbm>>
      tpu.enqueue_dma source(%dma_start3A_191 : memref<1x128xi32, #tpu.memory_space<hbm>>) target(%arg9 : memref<1x128xi32, #tpu.memory_space<vmem>>) target_semaphore(%arg16 : memref<!tpu.dma_semaphore, #tpu.memory_space<semaphore_mem>>)
    }
    %while3A_64 = arith.constant 1 : i32
    scf.for %while3A_115 = %while3A_62 to %while3A_58 step %while3A_64  : i32 {
      %mul3A_116 = arith.constant 2 : i32
      %mul3A_117 = arith.muli %mul3A_116, %while3A_115 : i32
      %add3A_118 = arith.constant 1 : i32
      %add3A_119 = arith.addi %mul3A_117, %add3A_118 : i32
      %dma_start3A_120 = arith.constant 0 : i32
      %dma_start3A_121 = arith.constant 0 : i32
      %dma_start3A_122 = tpu.memref_slice %arg7[%add3A_119, %dma_start3A_120, %dma_start3A_121] : memref<80x1x128xi32, #tpu.memory_space<vmem>> -> memref<1x1x128xi32, #tpu.memory_space<vmem>>
      %dma_start3A_123 = tpu.memref_squeeze %dma_start3A_122 : memref<1x1x128xi32, #tpu.memory_space<vmem>> -> memref<128xi32, #tpu.memory_space<vmem>>
      %dma_start3A_124 = arith.constant 0 : i32
      %dma_start3A_125 = arith.constant 0 : i32
      %dma_start3A_126 = tpu.memref_slice %arg4[%dma_start3A_124, %dma_start3A_125] : memref<10240x128xf32, #tpu.memory_space<hbm>> -> memref<10240x128xf32, #tpu.memory_space<hbm>>
      tpu.enqueue_indirect_dma source(%dma_start3A_126 : memref<10240x128xf32, #tpu.memory_space<hbm>>) target(%arg11 : memref<128x128xf32, #tpu.memory_space<vmem>>) offsets(%dma_start3A_123 : memref<128xi32, #tpu.memory_space<vmem>>) semaphore(%arg14 : memref<!tpu.dma_semaphore, #tpu.memory_space<semaphore_mem>>)
      %dma_wait3A_127 = arith.constant 0 : i32
      %dma_wait3A_128 = arith.constant 0 : i32
      %dma_wait3A_129 = tpu.memref_slice %arg7[%mul3A_117, %dma_wait3A_127, %dma_wait3A_128] : memref<80x1x128xi32, #tpu.memory_space<vmem>> -> memref<1x1x128xi32, #tpu.memory_space<vmem>>
      %dma_wait3A_130 = tpu.memref_squeeze %dma_wait3A_129 : memref<1x1x128xi32, #tpu.memory_space<vmem>> -> memref<128xi32, #tpu.memory_space<vmem>>
      %dma_wait3A_131 = arith.constant 0 : i32
      %dma_wait3A_132 = arith.constant 0 : i32
      %dma_wait3A_133 = tpu.memref_slice %arg4[%dma_wait3A_131, %dma_wait3A_132] : memref<10240x128xf32, #tpu.memory_space<hbm>> -> memref<10240x128xf32, #tpu.memory_space<hbm>>
      tpu.wait_indirect_dma semaphore(%arg13 : memref<!tpu.dma_semaphore, #tpu.memory_space<semaphore_mem>>) src(%dma_wait3A_133 : memref<10240x128xf32, #tpu.memory_space<hbm>>) dst(%arg10 : memref<128x128xf32, #tpu.memory_space<vmem>>)
      %add3A_134 = arith.addi %select_n3A_8, %mul3A_117 : i32
      %dma_wait3A_135 = arith.constant 0 : i32
      %dma_wait3A_136 = arith.constant 0 : i32
      %dma_wait3A_137 = tpu.memref_slice %arg3[%add3A_134, %dma_wait3A_135, %dma_wait3A_136] : memref<2640x1x128xi32, #tpu.memory_space<hbm>> -> memref<1x1x128xi32, #tpu.memory_space<hbm>>
      %dma_wait3A_138 = tpu.memref_squeeze %dma_wait3A_137 : memref<1x1x128xi32, #tpu.memory_space<hbm>> -> memref<1x128xi32, #tpu.memory_space<hbm>>
      %dma_wait3A_139 = arith.constant 0 : i32
      %dma_wait3A_140 = tpu.memref_slice %arg3[%add3A_134, %dma_wait3A_135, %dma_wait3A_139] : memref<2640x1x128xi32, #tpu.memory_space<hbm>> -> memref<1x1x128xi32, #tpu.memory_space<hbm>>
      %dma_wait3A_141 = tpu.memref_squeeze %dma_wait3A_140 : memref<1x1x128xi32, #tpu.memory_space<hbm>> -> memref<1x128xi32, #tpu.memory_space<hbm>>
      tpu.wait_dma2 semaphore(%arg15 : memref<!tpu.dma_semaphore, #tpu.memory_space<semaphore_mem>>) src(%dma_wait3A_141 : memref<1x128xi32, #tpu.memory_space<hbm>>) dst(%arg8 : memref<1x128xi32, #tpu.memory_space<vmem>>)
      %run_scoped3A_142 = arith.constant 0 : i32
      "tpu.region"() ({
        %run_scoped3A_192 = tpu.sem_alloc : memref<!tpu.dma_semaphore, #tpu.memory_space<semaphore_mem>>
        %dma_start3A_193 = arith.constant 0 : i32
        %dma_start3A_194 = tpu.memref_slice %arg8[%run_scoped3A_142, %dma_start3A_193] : memref<1x128xi32, #tpu.memory_space<vmem>> -> memref<1x128xi32, #tpu.memory_space<vmem>>
        %dma_start3A_195 = tpu.memref_squeeze %dma_start3A_194 : memref<1x128xi32, #tpu.memory_space<vmem>> -> memref<128xi32, #tpu.memory_space<vmem>>
        %dma_start3A_196 = arith.constant 0 : i32
        %dma_start3A_197 = arith.constant 0 : i32
        %dma_start3A_198 = tpu.memref_slice %arg12[%dma_start3A_196, %dma_start3A_197] : memref<10240x128xf32, #tpu.memory_space<vmem_shared>> -> memref<10240x128xf32, #tpu.memory_space<vmem_shared>>
        tpu.enqueue_indirect_dma source(%arg10 : memref<128x128xf32, #tpu.memory_space<vmem>>) target(%dma_start3A_198 : memref<10240x128xf32, #tpu.memory_space<vmem_shared>>) offsets(%dma_start3A_195 : memref<128xi32, #tpu.memory_space<vmem>>) semaphore(%run_scoped3A_192 : memref<!tpu.dma_semaphore, #tpu.memory_space<semaphore_mem>>) {add = true}
        %dma_wait3A_199 = arith.constant 0 : i32
        %dma_wait3A_200 = tpu.memref_slice %arg8[%run_scoped3A_142, %dma_wait3A_199] : memref<1x128xi32, #tpu.memory_space<vmem>> -> memref<1x128xi32, #tpu.memory_space<vmem>>
        %dma_wait3A_201 = tpu.memref_squeeze %dma_wait3A_200 : memref<1x128xi32, #tpu.memory_space<vmem>> -> memref<128xi32, #tpu.memory_space<vmem>>
        %dma_wait3A_202 = arith.constant 0 : i32
        %dma_wait3A_203 = arith.constant 0 : i32
        %dma_wait3A_204 = tpu.memref_slice %arg12[%dma_wait3A_202, %dma_wait3A_203] : memref<10240x128xf32, #tpu.memory_space<vmem_shared>> -> memref<10240x128xf32, #tpu.memory_space<vmem_shared>>
        tpu.wait_indirect_dma semaphore(%run_scoped3A_192 : memref<!tpu.dma_semaphore, #tpu.memory_space<semaphore_mem>>) src(%arg10 : memref<128x128xf32, #tpu.memory_space<vmem>>) dst(%dma_wait3A_204 : memref<10240x128xf32, #tpu.memory_space<vmem_shared>>)
        tpu.yield
      }) : () -> ()
      %add3A_143 = arith.constant 2 : i32
      %add3A_144 = arith.addi %mul3A_117, %add3A_143 : i32
      %add3A_145 = arith.addi %select_n3A_8, %add3A_144 : i32
      %dma_start3A_146 = arith.constant 0 : i32
      %dma_start3A_147 = arith.constant 0 : i32
      %dma_start3A_148 = tpu.memref_slice %arg3[%add3A_145, %dma_start3A_146, %dma_start3A_147] : memref<2640x1x128xi32, #tpu.memory_space<hbm>> -> memref<1x1x128xi32, #tpu.memory_space<hbm>>
      %dma_start3A_149 = tpu.memref_squeeze %dma_start3A_148 : memref<1x1x128xi32, #tpu.memory_space<hbm>> -> memref<1x128xi32, #tpu.memory_space<hbm>>
      %dma_start3A_150 = arith.constant 0 : i32
      %dma_start3A_151 = tpu.memref_slice %arg3[%add3A_145, %dma_start3A_146, %dma_start3A_150] : memref<2640x1x128xi32, #tpu.memory_space<hbm>> -> memref<1x1x128xi32, #tpu.memory_space<hbm>>
      %dma_start3A_152 = tpu.memref_squeeze %dma_start3A_151 : memref<1x1x128xi32, #tpu.memory_space<hbm>> -> memref<1x128xi32, #tpu.memory_space<hbm>>
      tpu.enqueue_dma source(%dma_start3A_152 : memref<1x128xi32, #tpu.memory_space<hbm>>) target(%arg8 : memref<1x128xi32, #tpu.memory_space<vmem>>) target_semaphore(%arg15 : memref<!tpu.dma_semaphore, #tpu.memory_space<semaphore_mem>>)
      %add3A_153 = arith.constant 2 : i32
      %add3A_154 = arith.addi %mul3A_117, %add3A_153 : i32
      %dma_start3A_155 = arith.constant 0 : i32
      %dma_start3A_156 = arith.constant 0 : i32
      %dma_start3A_157 = tpu.memref_slice %arg7[%add3A_154, %dma_start3A_155, %dma_start3A_156] : memref<80x1x128xi32, #tpu.memory_space<vmem>> -> memref<1x1x128xi32, #tpu.memory_space<vmem>>
      %dma_start3A_158 = tpu.memref_squeeze %dma_start3A_157 : memref<1x1x128xi32, #tpu.memory_space<vmem>> -> memref<128xi32, #tpu.memory_space<vmem>>
      %dma_start3A_159 = arith.constant 0 : i32
      %dma_start3A_160 = arith.constant 0 : i32
      %dma_start3A_161 = tpu.memref_slice %arg4[%dma_start3A_159, %dma_start3A_160] : memref<10240x128xf32, #tpu.memory_space<hbm>> -> memref<10240x128xf32, #tpu.memory_space<hbm>>
      tpu.enqueue_indirect_dma source(%dma_start3A_161 : memref<10240x128xf32, #tpu.memory_space<hbm>>) target(%arg10 : memref<128x128xf32, #tpu.memory_space<vmem>>) offsets(%dma_start3A_158 : memref<128xi32, #tpu.memory_space<vmem>>) semaphore(%arg13 : memref<!tpu.dma_semaphore, #tpu.memory_space<semaphore_mem>>)
      %add3A_162 = arith.constant 1 : i32
      %add3A_163 = arith.addi %mul3A_117, %add3A_162 : i32
      %dma_wait3A_164 = arith.constant 0 : i32
      %dma_wait3A_165 = arith.constant 0 : i32
      %dma_wait3A_166 = tpu.memref_slice %arg7[%add3A_163, %dma_wait3A_164, %dma_wait3A_165] : memref<80x1x128xi32, #tpu.memory_space<vmem>> -> memref<1x1x128xi32, #tpu.memory_space<vmem>>
      %dma_wait3A_167 = tpu.memref_squeeze %dma_wait3A_166 : memref<1x1x128xi32, #tpu.memory_space<vmem>> -> memref<128xi32, #tpu.memory_space<vmem>>
      %dma_wait3A_168 = arith.constant 0 : i32
      %dma_wait3A_169 = arith.constant 0 : i32
      %dma_wait3A_170 = tpu.memref_slice %arg4[%dma_wait3A_168, %dma_wait3A_169] : memref<10240x128xf32, #tpu.memory_space<hbm>> -> memref<10240x128xf32, #tpu.memory_space<hbm>>
      tpu.wait_indirect_dma semaphore(%arg14 : memref<!tpu.dma_semaphore, #tpu.memory_space<semaphore_mem>>) src(%dma_wait3A_170 : memref<10240x128xf32, #tpu.memory_space<hbm>>) dst(%arg11 : memref<128x128xf32, #tpu.memory_space<vmem>>)
      %add3A_171 = arith.constant 1 : i32
      %add3A_172 = arith.addi %mul3A_117, %add3A_171 : i32
      %add3A_173 = arith.addi %select_n3A_8, %add3A_172 : i32
      %dma_wait3A_174 = arith.constant 0 : i32
      %dma_wait3A_175 = arith.constant 0 : i32
      %dma_wait3A_176 = tpu.memref_slice %arg3[%add3A_173, %dma_wait3A_174, %dma_wait3A_175] : memref<2640x1x128xi32, #tpu.memory_space<hbm>> -> memref<1x1x128xi32, #tpu.memory_space<hbm>>
      %dma_wait3A_177 = tpu.memref_squeeze %dma_wait3A_176 : memref<1x1x128xi32, #tpu.memory_space<hbm>> -> memref<1x128xi32, #tpu.memory_space<hbm>>
      %dma_wait3A_178 = arith.constant 0 : i32
      %dma_wait3A_179 = tpu.memref_slice %arg3[%add3A_173, %dma_wait3A_174, %dma_wait3A_178] : memref<2640x1x128xi32, #tpu.memory_space<hbm>> -> memref<1x1x128xi32, #tpu.memory_space<hbm>>
      %dma_wait3A_180 = tpu.memref_squeeze %dma_wait3A_179 : memref<1x1x128xi32, #tpu.memory_space<hbm>> -> memref<1x128xi32, #tpu.memory_space<hbm>>
      tpu.wait_dma2 semaphore(%arg16 : memref<!tpu.dma_semaphore, #tpu.memory_space<semaphore_mem>>) src(%dma_wait3A_180 : memref<1x128xi32, #tpu.memory_space<hbm>>) dst(%arg9 : memref<1x128xi32, #tpu.memory_space<vmem>>)
      %run_scoped3A_181 = arith.constant 0 : i32
      "tpu.region"() ({
        %run_scoped3A_192 = tpu.sem_alloc : memref<!tpu.dma_semaphore, #tpu.memory_space<semaphore_mem>>
        %dma_start3A_193 = arith.constant 0 : i32
        %dma_start3A_194 = tpu.memref_slice %arg9[%run_scoped3A_181, %dma_start3A_193] : memref<1x128xi32, #tpu.memory_space<vmem>> -> memref<1x128xi32, #tpu.memory_space<vmem>>
        %dma_start3A_195 = tpu.memref_squeeze %dma_start3A_194 : memref<1x128xi32, #tpu.memory_space<vmem>> -> memref<128xi32, #tpu.memory_space<vmem>>
        %dma_start3A_196 = arith.constant 0 : i32
        %dma_start3A_197 = arith.constant 0 : i32
        %dma_start3A_198 = tpu.memref_slice %arg12[%dma_start3A_196, %dma_start3A_197] : memref<10240x128xf32, #tpu.memory_space<vmem_shared>> -> memref<10240x128xf32, #tpu.memory_space<vmem_shared>>
        tpu.enqueue_indirect_dma source(%arg11 : memref<128x128xf32, #tpu.memory_space<vmem>>) target(%dma_start3A_198 : memref<10240x128xf32, #tpu.memory_space<vmem_shared>>) offsets(%dma_start3A_195 : memref<128xi32, #tpu.memory_space<vmem>>) semaphore(%run_scoped3A_192 : memref<!tpu.dma_semaphore, #tpu.memory_space<semaphore_mem>>) {add = true}
        %dma_wait3A_199 = arith.constant 0 : i32
        %dma_wait3A_200 = tpu.memref_slice %arg9[%run_scoped3A_181, %dma_wait3A_199] : memref<1x128xi32, #tpu.memory_space<vmem>> -> memref<1x128xi32, #tpu.memory_space<vmem>>
        %dma_wait3A_201 = tpu.memref_squeeze %dma_wait3A_200 : memref<1x128xi32, #tpu.memory_space<vmem>> -> memref<128xi32, #tpu.memory_space<vmem>>
        %dma_wait3A_202 = arith.constant 0 : i32
        %dma_wait3A_203 = arith.constant 0 : i32
        %dma_wait3A_204 = tpu.memref_slice %arg12[%dma_wait3A_202, %dma_wait3A_203] : memref<10240x128xf32, #tpu.memory_space<vmem_shared>> -> memref<10240x128xf32, #tpu.memory_space<vmem_shared>>
        tpu.wait_indirect_dma semaphore(%run_scoped3A_192 : memref<!tpu.dma_semaphore, #tpu.memory_space<semaphore_mem>>) src(%arg11 : memref<128x128xf32, #tpu.memory_space<vmem>>) dst(%dma_wait3A_204 : memref<10240x128xf32, #tpu.memory_space<vmem_shared>>)
        tpu.yield
      }) : () -> ()
      %add3A_182 = arith.constant 3 : i32
      %add3A_183 = arith.addi %mul3A_117, %add3A_182 : i32
      %add3A_184 = arith.addi %select_n3A_8, %add3A_183 : i32
      %dma_start3A_185 = arith.constant 0 : i32
      %dma_start3A_186 = arith.constant 0 : i32
      %dma_start3A_187 = tpu.memref_slice %arg3[%add3A_184, %dma_start3A_185, %dma_start3A_186] : memref<2640x1x128xi32, #tpu.memory_space<hbm>> -> memref<1x1x128xi32, #tpu.memory_space<hbm>>
      %dma_start3A_188 = tpu.memref_squeeze %dma_start3A_187 : memref<1x1x128xi32, #tpu.memory_space<hbm>> -> memref<1x128xi32, #tpu.memory_space<hbm>>
      %dma_start3A_189 = arith.constant 0 : i32
      %dma_start3A_190 = tpu.memref_slice %arg3[%add3A_184, %dma_start3A_185, %dma_start3A_189] : memref<2640x1x128xi32, #tpu.memory_space<hbm>> -> memref<1x1x128xi32, #tpu.memory_space<hbm>>
      %dma_start3A_191 = tpu.memref_squeeze %dma_start3A_190 : memref<1x1x128xi32, #tpu.memory_space<hbm>> -> memref<1x128xi32, #tpu.memory_space<hbm>>
      tpu.enqueue_dma source(%dma_start3A_191 : memref<1x128xi32, #tpu.memory_space<hbm>>) target(%arg9 : memref<1x128xi32, #tpu.memory_space<vmem>>) target_semaphore(%arg16 : memref<!tpu.dma_semaphore, #tpu.memory_space<semaphore_mem>>)
    }
    %sub3A_65 = arith.constant 2 : i32
    %sub3A_66 = arith.subi %select_n3A, %sub3A_65 : i32
    %add3A_67 = arith.constant 1 : i32
    %add3A_68 = arith.addi %sub3A_66, %add3A_67 : i32
    %dma_start3A_69 = arith.constant 0 : i32
    %dma_start3A_70 = arith.constant 0 : i32
    %dma_start3A_71 = tpu.memref_slice %arg7[%add3A_68, %dma_start3A_69, %dma_start3A_70] : memref<80x1x128xi32, #tpu.memory_space<vmem>> -> memref<1x1x128xi32, #tpu.memory_space<vmem>>
    %dma_start3A_72 = tpu.memref_squeeze %dma_start3A_71 : memref<1x1x128xi32, #tpu.memory_space<vmem>> -> memref<128xi32, #tpu.memory_space<vmem>>
    %dma_start3A_73 = arith.constant 0 : i32
    %dma_start3A_74 = arith.constant 0 : i32
    %dma_start3A_75 = tpu.memref_slice %arg4[%dma_start3A_73, %dma_start3A_74] : memref<10240x128xf32, #tpu.memory_space<hbm>> -> memref<10240x128xf32, #tpu.memory_space<hbm>>
    tpu.enqueue_indirect_dma source(%dma_start3A_75 : memref<10240x128xf32, #tpu.memory_space<hbm>>) target(%arg11 : memref<128x128xf32, #tpu.memory_space<vmem>>) offsets(%dma_start3A_72 : memref<128xi32, #tpu.memory_space<vmem>>) semaphore(%arg14 : memref<!tpu.dma_semaphore, #tpu.memory_space<semaphore_mem>>)
    %dma_wait3A = arith.constant 0 : i32
    %dma_wait3A_76 = arith.constant 0 : i32
    %dma_wait3A_77 = tpu.memref_slice %arg7[%sub3A_66, %dma_wait3A, %dma_wait3A_76] : memref<80x1x128xi32, #tpu.memory_space<vmem>> -> memref<1x1x128xi32, #tpu.memory_space<vmem>>
    %dma_wait3A_78 = tpu.memref_squeeze %dma_wait3A_77 : memref<1x1x128xi32, #tpu.memory_space<vmem>> -> memref<128xi32, #tpu.memory_space<vmem>>
    %dma_wait3A_79 = arith.constant 0 : i32
    %dma_wait3A_80 = arith.constant 0 : i32
    %dma_wait3A_81 = tpu.memref_slice %arg4[%dma_wait3A_79, %dma_wait3A_80] : memref<10240x128xf32, #tpu.memory_space<hbm>> -> memref<10240x128xf32, #tpu.memory_space<hbm>>
    tpu.wait_indirect_dma semaphore(%arg13 : memref<!tpu.dma_semaphore, #tpu.memory_space<semaphore_mem>>) src(%dma_wait3A_81 : memref<10240x128xf32, #tpu.memory_space<hbm>>) dst(%arg10 : memref<128x128xf32, #tpu.memory_space<vmem>>)
    %add3A_82 = arith.addi %select_n3A_8, %sub3A_66 : i32
    %dma_wait3A_83 = arith.constant 0 : i32
    %dma_wait3A_84 = arith.constant 0 : i32
    %dma_wait3A_85 = tpu.memref_slice %arg3[%add3A_82, %dma_wait3A_83, %dma_wait3A_84] : memref<2640x1x128xi32, #tpu.memory_space<hbm>> -> memref<1x1x128xi32, #tpu.memory_space<hbm>>
    %dma_wait3A_86 = tpu.memref_squeeze %dma_wait3A_85 : memref<1x1x128xi32, #tpu.memory_space<hbm>> -> memref<1x128xi32, #tpu.memory_space<hbm>>
    %dma_wait3A_87 = arith.constant 0 : i32
    %dma_wait3A_88 = tpu.memref_slice %arg3[%add3A_82, %dma_wait3A_83, %dma_wait3A_87] : memref<2640x1x128xi32, #tpu.memory_space<hbm>> -> memref<1x1x128xi32, #tpu.memory_space<hbm>>
    %dma_wait3A_89 = tpu.memref_squeeze %dma_wait3A_88 : memref<1x1x128xi32, #tpu.memory_space<hbm>> -> memref<1x128xi32, #tpu.memory_space<hbm>>
    tpu.wait_dma2 semaphore(%arg15 : memref<!tpu.dma_semaphore, #tpu.memory_space<semaphore_mem>>) src(%dma_wait3A_89 : memref<1x128xi32, #tpu.memory_space<hbm>>) dst(%arg8 : memref<1x128xi32, #tpu.memory_space<vmem>>)
    %run_scoped3A = arith.constant 0 : i32
    "tpu.region"() ({
      %run_scoped3A_115 = tpu.sem_alloc : memref<!tpu.dma_semaphore, #tpu.memory_space<semaphore_mem>>
      %dma_start3A_116 = arith.constant 0 : i32
      %dma_start3A_117 = tpu.memref_slice %arg8[%run_scoped3A, %dma_start3A_116] : memref<1x128xi32, #tpu.memory_space<vmem>> -> memref<1x128xi32, #tpu.memory_space<vmem>>
      %dma_start3A_118 = tpu.memref_squeeze %dma_start3A_117 : memref<1x128xi32, #tpu.memory_space<vmem>> -> memref<128xi32, #tpu.memory_space<vmem>>
      %dma_start3A_119 = arith.constant 0 : i32
      %dma_start3A_120 = arith.constant 0 : i32
      %dma_start3A_121 = tpu.memref_slice %arg12[%dma_start3A_119, %dma_start3A_120] : memref<10240x128xf32, #tpu.memory_space<vmem_shared>> -> memref<10240x128xf32, #tpu.memory_space<vmem_shared>>
      tpu.enqueue_indirect_dma source(%arg10 : memref<128x128xf32, #tpu.memory_space<vmem>>) target(%dma_start3A_121 : memref<10240x128xf32, #tpu.memory_space<vmem_shared>>) offsets(%dma_start3A_118 : memref<128xi32, #tpu.memory_space<vmem>>) semaphore(%run_scoped3A_115 : memref<!tpu.dma_semaphore, #tpu.memory_space<semaphore_mem>>) {add = true}
      %dma_wait3A_122 = arith.constant 0 : i32
      %dma_wait3A_123 = tpu.memref_slice %arg8[%run_scoped3A, %dma_wait3A_122] : memref<1x128xi32, #tpu.memory_space<vmem>> -> memref<1x128xi32, #tpu.memory_space<vmem>>
      %dma_wait3A_124 = tpu.memref_squeeze %dma_wait3A_123 : memref<1x128xi32, #tpu.memory_space<vmem>> -> memref<128xi32, #tpu.memory_space<vmem>>
      %dma_wait3A_125 = arith.constant 0 : i32
      %dma_wait3A_126 = arith.constant 0 : i32
      %dma_wait3A_127 = tpu.memref_slice %arg12[%dma_wait3A_125, %dma_wait3A_126] : memref<10240x128xf32, #tpu.memory_space<vmem_shared>> -> memref<10240x128xf32, #tpu.memory_space<vmem_shared>>
      tpu.wait_indirect_dma semaphore(%run_scoped3A_115 : memref<!tpu.dma_semaphore, #tpu.memory_space<semaphore_mem>>) src(%arg10 : memref<128x128xf32, #tpu.memory_space<vmem>>) dst(%dma_wait3A_127 : memref<10240x128xf32, #tpu.memory_space<vmem_shared>>)
      tpu.yield
    }) : () -> ()
    %add3A_90 = arith.constant 1 : i32
    %add3A_91 = arith.addi %sub3A_66, %add3A_90 : i32
    %dma_wait3A_92 = arith.constant 0 : i32
    %dma_wait3A_93 = arith.constant 0 : i32
    %dma_wait3A_94 = tpu.memref_slice %arg7[%add3A_91, %dma_wait3A_92, %dma_wait3A_93] : memref<80x1x128xi32, #tpu.memory_space<vmem>> -> memref<1x1x128xi32, #tpu.memory_space<vmem>>
    %dma_wait3A_95 = tpu.memref_squeeze %dma_wait3A_94 : memref<1x1x128xi32, #tpu.memory_space<vmem>> -> memref<128xi32, #tpu.memory_space<vmem>>
    %dma_wait3A_96 = arith.constant 0 : i32
    %dma_wait3A_97 = arith.constant 0 : i32
    %dma_wait3A_98 = tpu.memref_slice %arg4[%dma_wait3A_96, %dma_wait3A_97] : memref<10240x128xf32, #tpu.memory_space<hbm>> -> memref<10240x128xf32, #tpu.memory_space<hbm>>
    tpu.wait_indirect_dma semaphore(%arg14 : memref<!tpu.dma_semaphore, #tpu.memory_space<semaphore_mem>>) src(%dma_wait3A_98 : memref<10240x128xf32, #tpu.memory_space<hbm>>) dst(%arg11 : memref<128x128xf32, #tpu.memory_space<vmem>>)
    %add3A_99 = arith.constant 1 : i32
    %add3A_100 = arith.addi %sub3A_66, %add3A_99 : i32
    %add3A_101 = arith.addi %select_n3A_8, %add3A_100 : i32
    %dma_wait3A_102 = arith.constant 0 : i32
    %dma_wait3A_103 = arith.constant 0 : i32
    %dma_wait3A_104 = tpu.memref_slice %arg3[%add3A_101, %dma_wait3A_102, %dma_wait3A_103] : memref<2640x1x128xi32, #tpu.memory_space<hbm>> -> memref<1x1x128xi32, #tpu.memory_space<hbm>>
    %dma_wait3A_105 = tpu.memref_squeeze %dma_wait3A_104 : memref<1x1x128xi32, #tpu.memory_space<hbm>> -> memref<1x128xi32, #tpu.memory_space<hbm>>
    %dma_wait3A_106 = arith.constant 0 : i32
    %dma_wait3A_107 = tpu.memref_slice %arg3[%add3A_101, %dma_wait3A_102, %dma_wait3A_106] : memref<2640x1x128xi32, #tpu.memory_space<hbm>> -> memref<1x1x128xi32, #tpu.memory_space<hbm>>
    %dma_wait3A_108 = tpu.memref_squeeze %dma_wait3A_107 : memref<1x1x128xi32, #tpu.memory_space<hbm>> -> memref<1x128xi32, #tpu.memory_space<hbm>>
    tpu.wait_dma2 semaphore(%arg16 : memref<!tpu.dma_semaphore, #tpu.memory_space<semaphore_mem>>) src(%dma_wait3A_108 : memref<1x128xi32, #tpu.memory_space<hbm>>) dst(%arg9 : memref<1x128xi32, #tpu.memory_space<vmem>>)
    %run_scoped3A_109 = arith.constant 0 : i32
    "tpu.region"() ({
      %run_scoped3A_115 = tpu.sem_alloc : memref<!tpu.dma_semaphore, #tpu.memory_space<semaphore_mem>>
      %dma_start3A_116 = arith.constant 0 : i32
      %dma_start3A_117 = tpu.memref_slice %arg9[%run_scoped3A_109, %dma_start3A_116] : memref<1x128xi32, #tpu.memory_space<vmem>> -> memref<1x128xi32, #tpu.memory_space<vmem>>
      %dma_start3A_118 = tpu.memref_squeeze %dma_start3A_117 : memref<1x128xi32, #tpu.memory_space<vmem>> -> memref<128xi32, #tpu.memory_space<vmem>>
      %dma_start3A_119 = arith.constant 0 : i32
      %dma_start3A_120 = arith.constant 0 : i32
      %dma_start3A_121 = tpu.memref_slice %arg12[%dma_start3A_119, %dma_start3A_120] : memref<10240x128xf32, #tpu.memory_space<vmem_shared>> -> memref<10240x128xf32, #tpu.memory_space<vmem_shared>>
      tpu.enqueue_indirect_dma source(%arg11 : memref<128x128xf32, #tpu.memory_space<vmem>>) target(%dma_start3A_121 : memref<10240x128xf32, #tpu.memory_space<vmem_shared>>) offsets(%dma_start3A_118 : memref<128xi32, #tpu.memory_space<vmem>>) semaphore(%run_scoped3A_115 : memref<!tpu.dma_semaphore, #tpu.memory_space<semaphore_mem>>) {add = true}
      %dma_wait3A_122 = arith.constant 0 : i32
      %dma_wait3A_123 = tpu.memref_slice %arg9[%run_scoped3A_109, %dma_wait3A_122] : memref<1x128xi32, #tpu.memory_space<vmem>> -> memref<1x128xi32, #tpu.memory_space<vmem>>
      %dma_wait3A_124 = tpu.memref_squeeze %dma_wait3A_123 : memref<1x128xi32, #tpu.memory_space<vmem>> -> memref<128xi32, #tpu.memory_space<vmem>>
      %dma_wait3A_125 = arith.constant 0 : i32
      %dma_wait3A_126 = arith.constant 0 : i32
      %dma_wait3A_127 = tpu.memref_slice %arg12[%dma_wait3A_125, %dma_wait3A_126] : memref<10240x128xf32, #tpu.memory_space<vmem_shared>> -> memref<10240x128xf32, #tpu.memory_space<vmem_shared>>
      tpu.wait_indirect_dma semaphore(%run_scoped3A_115 : memref<!tpu.dma_semaphore, #tpu.memory_space<semaphore_mem>>) src(%arg11 : memref<128x128xf32, #tpu.memory_space<vmem>>) dst(%dma_wait3A_127 : memref<10240x128xf32, #tpu.memory_space<vmem_shared>>)
      tpu.yield
    }) : () -> ()
    %barrier3A_110 = arith.constant 0 : index
    tpu.barrier barrier_id(%barrier3A_110)
    %mul3A_111 = arith.constant 640 : i32
    %mul3A_112 = arith.muli %arg1, %mul3A_111 : i32
    %mul3A_113 = arith.constant 640 : i32
    %mul3A_114 = arith.muli %arg1, %mul3A_113 : i32
    "tpu.region"() ({
      %run_scoped3A_115 = tpu.sem_alloc : memref<!tpu.dma_semaphore, #tpu.memory_space<semaphore_mem>>
      %dma_start3A_116 = arith.constant 0 : i32
      %dma_start3A_117 = tpu.memref_slice %arg6[%arg0, %mul3A_114, %dma_start3A_116] : memref<2x10240x128xf32, #tpu.memory_space<hbm>> -> memref<1x640x128xf32, #tpu.memory_space<hbm>>
      %dma_start3A_118 = tpu.memref_squeeze %dma_start3A_117 : memref<1x640x128xf32, #tpu.memory_space<hbm>> -> memref<640x128xf32, #tpu.memory_space<hbm>>
      %dma_start3A_119 = arith.constant 0 : i32
      %dma_start3A_120 = tpu.memref_slice %arg12[%mul3A_112, %dma_start3A_119] : memref<10240x128xf32, #tpu.memory_space<vmem_shared>> -> memref<640x128xf32, #tpu.memory_space<vmem_shared>>
      tpu.enqueue_dma source(%dma_start3A_120 : memref<640x128xf32, #tpu.memory_space<vmem_shared>>) target(%dma_start3A_118 : memref<640x128xf32, #tpu.memory_space<hbm>>) target_semaphore(%run_scoped3A_115 : memref<!tpu.dma_semaphore, #tpu.memory_space<semaphore_mem>>)
      %dma_wait3A_121 = arith.constant 0 : i32
      %dma_wait3A_122 = tpu.memref_slice %arg6[%arg0, %mul3A_114, %dma_wait3A_121] : memref<2x10240x128xf32, #tpu.memory_space<hbm>> -> memref<1x640x128xf32, #tpu.memory_space<hbm>>
      %dma_wait3A_123 = tpu.memref_squeeze %dma_wait3A_122 : memref<1x640x128xf32, #tpu.memory_space<hbm>> -> memref<640x128xf32, #tpu.memory_space<hbm>>
      %dma_wait3A_124 = arith.constant 0 : i32
      %dma_wait3A_125 = tpu.memref_slice %arg12[%mul3A_112, %dma_wait3A_124] : memref<10240x128xf32, #tpu.memory_space<vmem_shared>> -> memref<640x128xf32, #tpu.memory_space<vmem_shared>>
      tpu.wait_dma2 semaphore(%run_scoped3A_115 : memref<!tpu.dma_semaphore, #tpu.memory_space<semaphore_mem>>) src(%dma_wait3A_125 : memref<640x128xf32, #tpu.memory_space<vmem_shared>>) dst(%dma_wait3A_123 : memref<640x128xf32, #tpu.memory_space<hbm>>)
      tpu.yield
    }) : () -> ()
    return
  }
}

module attributes {stable_mosaic.version = 14 : i64} {
  func.func @_tc1_body(%arg0: memref<10000x128xf32, #tpu.memory_space<vmem>>, %arg1: memref<128x128xf32, #tpu.memory_space<vmem>>, %arg2: memref<2x10240x1xf32, #tpu.memory_space<vmem>>, %arg3: memref<10240x128xf32, #tpu.memory_space<vmem>>) attributes {dimension_semantics = [], scalar_prefetch = 0 : i64, scratch_operands = 0 : i64, tpu.core_type = #tpu.core_type<tc>} {
    %get3A = arith.constant 0 : index
    %get3A_0 = arith.constant 0 : index
    %get3A_1 = arith.constant 0 : index
    %get3A_2 = vector.load %arg2[%get3A, %get3A_0, %get3A_1] : memref<2x10240x1xf32, #tpu.memory_space<vmem>>, vector<2x10240x1xf32>
    %slice3A = vector.extract_strided_slice %get3A_2 {offsets = [0, 0, 0], sizes = [1, 10000, 1], strides = [1, 1, 1]} : vector<2x10240x1xf32> to vector<1x10000x1xf32>
    %squeeze3A = vector.shape_cast %slice3A : vector<1x10000x1xf32> to vector<10000x1xf32>
    %slice3A_3 = vector.extract_strided_slice %get3A_2 {offsets = [1, 0, 0], sizes = [1, 10000, 1], strides = [1, 1, 1]} : vector<2x10240x1xf32> to vector<1x10000x1xf32>
    %squeeze3A_4 = vector.shape_cast %slice3A_3 : vector<1x10000x1xf32> to vector<10000x1xf32>
    %add3A = arith.addf %squeeze3A, %squeeze3A_4 : vector<10000x1xf32>
    %add3A_5 = arith.constant 1.000000e+00 : f32
    %add3A_6 = vector.broadcast %add3A_5 : f32 to vector<10000x1xf32>
    %add3A_7 = arith.addf %add3A, %add3A_6 : vector<10000x1xf32>
    %max3A = arith.constant 1.000000e+00 : f32
    %max3A_8 = vector.broadcast %max3A : f32 to vector<10000x1xf32>
    %max3A_9 = arith.maximumf %add3A_7, %max3A_8 : vector<10000x1xf32>
    %rsqrt3A = math.rsqrt %max3A_9 : vector<10000x1xf32>
    %get3A_10 = arith.constant 0 : index
    %get3A_11 = arith.constant 0 : index
    %get3A_12 = vector.load %arg0[%get3A_10, %get3A_11] : memref<10000x128xf32, #tpu.memory_space<vmem>>, vector<10000x128xf32>
    %get3A_13 = arith.constant 0 : index
    %get3A_14 = arith.constant 0 : index
    %get3A_15 = vector.load %arg1[%get3A_13, %get3A_14] : memref<128x128xf32, #tpu.memory_space<vmem>>, vector<128x128xf32>
    %dot_general3A = arith.constant dense<0.000000e+00> : vector<10000x128xf32>
    %dot_general3A_16 = tpu.matmul %get3A_12, %get3A_15, %dot_general3A {dimension_numbers = #tpu.dot_dimension_numbers<[1], [0], [0], [1], [0, 0, 1, 1], [], []>, transpose_lhs_hint = false} : vector<10000x128xf32>, vector<128x128xf32>, vector<10000x128xf32> -> vector<10000x128xf32>
    %mul3A = vector.broadcast %rsqrt3A : vector<10000x1xf32> to vector<10000x128xf32>
    %mul3A_17 = arith.mulf %dot_general3A_16, %mul3A : vector<10000x128xf32>
    %swap3A = arith.constant 0 : index
    %swap3A_18 = arith.constant 0 : index
    %swap3A_19 = vector.load %arg3[%swap3A, %swap3A_18] : memref<10240x128xf32, #tpu.memory_space<vmem>>, vector<10000x128xf32>
    tpu.vector_store %arg3[%swap3A, %swap3A_18], %mul3A_17 {strides = array<i32>} : memref<10240x128xf32, #tpu.memory_space<vmem>>, vector<10000x128xf32>,
    %broadcast_in_dim3A = arith.constant 0.000000e+00 : f32
    %broadcast_in_dim3A_20 = vector.broadcast %broadcast_in_dim3A : f32 to vector<240x128xf32>
    %swap3A_21 = arith.constant 10000 : index
    %swap3A_22 = arith.constant 0 : index
    %swap3A_23 = vector.load %arg3[%swap3A_21, %swap3A_22] : memref<10240x128xf32, #tpu.memory_space<vmem>>, vector<240x128xf32>
    tpu.vector_store %arg3[%swap3A_21, %swap3A_22], %broadcast_in_dim3A_20 {strides = array<i32>} : memref<10240x128xf32, #tpu.memory_space<vmem>>, vector<240x128xf32>,
    return
  }
}

module attributes {stable_mosaic.version = 14 : i64} {
  func.func @_tc2_body(%arg0: memref<2x10240x128xf32, #tpu.memory_space<vmem>>, %arg1: memref<10240x128xf32, #tpu.memory_space<vmem>>, %arg2: memref<2x10240x1xf32, #tpu.memory_space<vmem>>, %arg3: memref<1x128xf32, #tpu.memory_space<vmem>>, %arg4: memref<1x128xf32, #tpu.memory_space<vmem>>, %arg5: memref<1x128xf32, #tpu.memory_space<vmem>>, %arg6: memref<128x128xf32, #tpu.memory_space<vmem>>, %arg7: memref<10240x128xf32, #tpu.memory_space<vmem>>) attributes {dimension_semantics = [], scalar_prefetch = 0 : i64, scratch_operands = 0 : i64, tpu.core_type = #tpu.core_type<tc>} {
    %get3A = arith.constant 0 : index
    %get3A_0 = arith.constant 0 : index
    %get3A_1 = arith.constant 0 : index
    %get3A_2 = vector.load %arg2[%get3A, %get3A_0, %get3A_1] : memref<2x10240x1xf32, #tpu.memory_space<vmem>>, vector<2x10240x1xf32>
    %slice3A = vector.extract_strided_slice %get3A_2 {offsets = [0, 0, 0], sizes = [1, 10000, 1], strides = [1, 1, 1]} : vector<2x10240x1xf32> to vector<1x10000x1xf32>
    %squeeze3A = vector.shape_cast %slice3A : vector<1x10000x1xf32> to vector<10000x1xf32>
    %slice3A_3 = vector.extract_strided_slice %get3A_2 {offsets = [1, 0, 0], sizes = [1, 10000, 1], strides = [1, 1, 1]} : vector<2x10240x1xf32> to vector<1x10000x1xf32>
    %squeeze3A_4 = vector.shape_cast %slice3A_3 : vector<1x10000x1xf32> to vector<10000x1xf32>
    %add3A = arith.addf %squeeze3A, %squeeze3A_4 : vector<10000x1xf32>
    %add3A_5 = arith.constant 1.000000e+00 : f32
    %add3A_6 = vector.broadcast %add3A_5 : f32 to vector<10000x1xf32>
    %add3A_7 = arith.addf %add3A, %add3A_6 : vector<10000x1xf32>
    %max3A = arith.constant 1.000000e+00 : f32
    %max3A_8 = vector.broadcast %max3A : f32 to vector<10000x1xf32>
    %max3A_9 = arith.maximumf %add3A_7, %max3A_8 : vector<10000x1xf32>
    %rsqrt3A = math.rsqrt %max3A_9 : vector<10000x1xf32>
    %get3A_10 = arith.constant 0 : index
    %get3A_11 = arith.constant 0 : index
    %get3A_12 = arith.constant 0 : index
    %get3A_13 = vector.load %arg0[%get3A_10, %get3A_11, %get3A_12] : memref<2x10240x128xf32, #tpu.memory_space<vmem>>, vector<1x10000x128xf32>
    %get3A_14 = vector.shape_cast %get3A_13 : vector<1x10000x128xf32> to vector<10000x128xf32>
    %get3A_15 = arith.constant 1 : index
    %get3A_16 = arith.constant 0 : index
    %get3A_17 = arith.constant 0 : index
    %get3A_18 = vector.load %arg0[%get3A_15, %get3A_16, %get3A_17] : memref<2x10240x128xf32, #tpu.memory_space<vmem>>, vector<1x10000x128xf32>
    %get3A_19 = vector.shape_cast %get3A_18 : vector<1x10000x128xf32> to vector<10000x128xf32>
    %add3A_20 = arith.addf %get3A_14, %get3A_19 : vector<10000x128xf32>
    %get3A_21 = arith.constant 0 : index
    %get3A_22 = arith.constant 0 : index
    %get3A_23 = vector.load %arg1[%get3A_21, %get3A_22] : memref<10240x128xf32, #tpu.memory_space<vmem>>, vector<10000x128xf32>
    %add3A_24 = arith.addf %add3A_20, %get3A_23 : vector<10000x128xf32>
    %mul3A = vector.broadcast %rsqrt3A : vector<10000x1xf32> to vector<10000x128xf32>
    %mul3A_25 = arith.mulf %add3A_24, %mul3A : vector<10000x128xf32>
    %get3A_26 = arith.constant 0 : index
    %get3A_27 = arith.constant 0 : index
    %get3A_28 = vector.load %arg3[%get3A_26, %get3A_27] : memref<1x128xf32, #tpu.memory_space<vmem>>, vector<1x128xf32>
    %add3A_29 = vector.broadcast %get3A_28 : vector<1x128xf32> to vector<10000x128xf32>
    %add3A_30 = arith.addf %mul3A_25, %add3A_29 : vector<10000x128xf32>
    %reduce_sum3A = arith.constant dense<0.000000e+00> : vector<128xf32>
    %reduce_sum3A_31 = vector.multi_reduction <add>, %add3A_30, %reduce_sum3A [0] : vector<10000x128xf32> to vector<128xf32>
    %broadcast_in_dim3A = vector.shape_cast %reduce_sum3A_31 : vector<128xf32> to vector<1x128xf32>
    %div3A = arith.constant 1.000000e+04 : f32
    %div3A_32 = vector.broadcast %div3A : f32 to vector<1x128xf32>
    %div3A_33 = arith.divf %broadcast_in_dim3A, %div3A_32 : vector<1x128xf32>
    %sub3A = vector.broadcast %div3A_33 : vector<1x128xf32> to vector<10000x128xf32>
    %sub3A_34 = arith.subf %add3A_30, %sub3A : vector<10000x128xf32>
    %sub3A_35 = vector.broadcast %div3A_33 : vector<1x128xf32> to vector<10000x128xf32>
    %sub3A_36 = arith.subf %add3A_30, %sub3A_35 : vector<10000x128xf32>
    %mul3A_37 = arith.mulf %sub3A_34, %sub3A_36 : vector<10000x128xf32>
    %reduce_sum3A_38 = arith.constant dense<0.000000e+00> : vector<128xf32>
    %reduce_sum3A_39 = vector.multi_reduction <add>, %mul3A_37, %reduce_sum3A_38 [0] : vector<10000x128xf32> to vector<128xf32>
    %broadcast_in_dim3A_40 = vector.shape_cast %reduce_sum3A_39 : vector<128xf32> to vector<1x128xf32>
    %div3A_41 = arith.constant 1.000000e+04 : f32
    %div3A_42 = vector.broadcast %div3A_41 : f32 to vector<1x128xf32>
    %div3A_43 = arith.divf %broadcast_in_dim3A_40, %div3A_42 : vector<1x128xf32>
    %sub3A_44 = vector.broadcast %div3A_33 : vector<1x128xf32> to vector<10000x128xf32>
    %sub3A_45 = arith.subf %add3A_30, %sub3A_44 : vector<10000x128xf32>
    %add3A_46 = arith.constant 9.99999974E-6 : f32
    %add3A_47 = vector.broadcast %add3A_46 : f32 to vector<1x128xf32>
    %add3A_48 = arith.addf %div3A_43, %add3A_47 : vector<1x128xf32>
    %rsqrt3A_49 = math.rsqrt %add3A_48 : vector<1x128xf32>
    %mul3A_50 = vector.broadcast %rsqrt3A_49 : vector<1x128xf32> to vector<10000x128xf32>
    %mul3A_51 = arith.mulf %sub3A_45, %mul3A_50 : vector<10000x128xf32>
    %get3A_52 = arith.constant 0 : index
    %get3A_53 = arith.constant 0 : index
    %get3A_54 = vector.load %arg4[%get3A_52, %get3A_53] : memref<1x128xf32, #tpu.memory_space<vmem>>, vector<1x128xf32>
    %mul3A_55 = vector.broadcast %get3A_54 : vector<1x128xf32> to vector<10000x128xf32>
    %mul3A_56 = arith.mulf %mul3A_51, %mul3A_55 : vector<10000x128xf32>
    %get3A_57 = arith.constant 0 : index
    %get3A_58 = arith.constant 0 : index
    %get3A_59 = vector.load %arg5[%get3A_57, %get3A_58] : memref<1x128xf32, #tpu.memory_space<vmem>>, vector<1x128xf32>
    %add3A_60 = vector.broadcast %get3A_59 : vector<1x128xf32> to vector<10000x128xf32>
    %add3A_61 = arith.addf %mul3A_56, %add3A_60 : vector<10000x128xf32>
    %max3A_62 = arith.constant 0.000000e+00 : f32
    %max3A_63 = vector.broadcast %max3A_62 : f32 to vector<10000x128xf32>
    %max3A_64 = arith.maximumf %add3A_61, %max3A_63 : vector<10000x128xf32>
    %get3A_65 = arith.constant 0 : index
    %get3A_66 = arith.constant 0 : index
    %get3A_67 = vector.load %arg6[%get3A_65, %get3A_66] : memref<128x128xf32, #tpu.memory_space<vmem>>, vector<128x128xf32>
    %dot_general3A = arith.constant dense<0.000000e+00> : vector<10000x128xf32>
    %dot_general3A_68 = tpu.matmul %max3A_64, %get3A_67, %dot_general3A {dimension_numbers = #tpu.dot_dimension_numbers<[1], [0], [0], [1], [0, 0, 1, 1], [], []>, transpose_lhs_hint = false} : vector<10000x128xf32>, vector<128x128xf32>, vector<10000x128xf32> -> vector<10000x128xf32>
    %mul3A_69 = vector.broadcast %rsqrt3A : vector<10000x1xf32> to vector<10000x128xf32>
    %mul3A_70 = arith.mulf %dot_general3A_68, %mul3A_69 : vector<10000x128xf32>
    %swap3A = arith.constant 0 : index
    %swap3A_71 = arith.constant 0 : index
    %swap3A_72 = vector.load %arg7[%swap3A, %swap3A_71] : memref<10240x128xf32, #tpu.memory_space<vmem>>, vector<10000x128xf32>
    tpu.vector_store %arg7[%swap3A, %swap3A_71], %mul3A_70 {strides = array<i32>} : memref<10240x128xf32, #tpu.memory_space<vmem>>, vector<10000x128xf32>,
    %broadcast_in_dim3A_73 = arith.constant 0.000000e+00 : f32
    %broadcast_in_dim3A_74 = vector.broadcast %broadcast_in_dim3A_73 : f32 to vector<240x128xf32>
    %swap3A_75 = arith.constant 10000 : index
    %swap3A_76 = arith.constant 0 : index
    %swap3A_77 = vector.load %arg7[%swap3A_75, %swap3A_76] : memref<10240x128xf32, #tpu.memory_space<vmem>>, vector<240x128xf32>
    tpu.vector_store %arg7[%swap3A_75, %swap3A_76], %broadcast_in_dim3A_74 {strides = array<i32>} : memref<10240x128xf32, #tpu.memory_space<vmem>>, vector<240x128xf32>,
    return
  }
}

module attributes {stable_mosaic.version = 14 : i64} {
  func.func @_tc3_body(%arg0: memref<2x10240x128xf32, #tpu.memory_space<vmem>>, %arg1: memref<10240x128xf32, #tpu.memory_space<vmem>>, %arg2: memref<2x10240x1xf32, #tpu.memory_space<vmem>>, %arg3: memref<1x128xf32, #tpu.memory_space<vmem>>, %arg4: memref<1x128xf32, #tpu.memory_space<vmem>>, %arg5: memref<1x128xf32, #tpu.memory_space<vmem>>, %arg6: memref<1x10000xi32, #tpu.memory_space<vmem>>, %arg7: memref<128x10xf32, #tpu.memory_space<vmem>>, %arg8: memref<1x10xf32, #tpu.memory_space<vmem>>, %arg9: memref<64x10xf32, #tpu.memory_space<vmem>>) attributes {dimension_semantics = [], scalar_prefetch = 0 : i64, scratch_operands = 0 : i64, tpu.core_type = #tpu.core_type<tc>} {
    %get3A = arith.constant 0 : index
    %get3A_0 = arith.constant 0 : index
    %get3A_1 = arith.constant 0 : index
    %get3A_2 = vector.load %arg2[%get3A, %get3A_0, %get3A_1] : memref<2x10240x1xf32, #tpu.memory_space<vmem>>, vector<2x10240x1xf32>
    %slice3A = vector.extract_strided_slice %get3A_2 {offsets = [0, 0, 0], sizes = [1, 10000, 1], strides = [1, 1, 1]} : vector<2x10240x1xf32> to vector<1x10000x1xf32>
    %squeeze3A = vector.shape_cast %slice3A : vector<1x10000x1xf32> to vector<10000x1xf32>
    %slice3A_3 = vector.extract_strided_slice %get3A_2 {offsets = [1, 0, 0], sizes = [1, 10000, 1], strides = [1, 1, 1]} : vector<2x10240x1xf32> to vector<1x10000x1xf32>
    %squeeze3A_4 = vector.shape_cast %slice3A_3 : vector<1x10000x1xf32> to vector<10000x1xf32>
    %add3A = arith.addf %squeeze3A, %squeeze3A_4 : vector<10000x1xf32>
    %add3A_5 = arith.constant 1.000000e+00 : f32
    %add3A_6 = vector.broadcast %add3A_5 : f32 to vector<10000x1xf32>
    %add3A_7 = arith.addf %add3A, %add3A_6 : vector<10000x1xf32>
    %max3A = arith.constant 1.000000e+00 : f32
    %max3A_8 = vector.broadcast %max3A : f32 to vector<10000x1xf32>
    %max3A_9 = arith.maximumf %add3A_7, %max3A_8 : vector<10000x1xf32>
    %rsqrt3A = math.rsqrt %max3A_9 : vector<10000x1xf32>
    %get3A_10 = arith.constant 0 : index
    %get3A_11 = arith.constant 0 : index
    %get3A_12 = arith.constant 0 : index
    %get3A_13 = vector.load %arg0[%get3A_10, %get3A_11, %get3A_12] : memref<2x10240x128xf32, #tpu.memory_space<vmem>>, vector<1x10000x128xf32>
    %get3A_14 = vector.shape_cast %get3A_13 : vector<1x10000x128xf32> to vector<10000x128xf32>
    %get3A_15 = arith.constant 1 : index
    %get3A_16 = arith.constant 0 : index
    %get3A_17 = arith.constant 0 : index
    %get3A_18 = vector.load %arg0[%get3A_15, %get3A_16, %get3A_17] : memref<2x10240x128xf32, #tpu.memory_space<vmem>>, vector<1x10000x128xf32>
    %get3A_19 = vector.shape_cast %get3A_18 : vector<1x10000x128xf32> to vector<10000x128xf32>
    %add3A_20 = arith.addf %get3A_14, %get3A_19 : vector<10000x128xf32>
    %get3A_21 = arith.constant 0 : index
    %get3A_22 = arith.constant 0 : index
    %get3A_23 = vector.load %arg1[%get3A_21, %get3A_22] : memref<10240x128xf32, #tpu.memory_space<vmem>>, vector<10000x128xf32>
    %add3A_24 = arith.addf %add3A_20, %get3A_23 : vector<10000x128xf32>
    %mul3A = vector.broadcast %rsqrt3A : vector<10000x1xf32> to vector<10000x128xf32>
    %mul3A_25 = arith.mulf %add3A_24, %mul3A : vector<10000x128xf32>
    %get3A_26 = arith.constant 0 : index
    %get3A_27 = arith.constant 0 : index
    %get3A_28 = vector.load %arg3[%get3A_26, %get3A_27] : memref<1x128xf32, #tpu.memory_space<vmem>>, vector<1x128xf32>
    %add3A_29 = vector.broadcast %get3A_28 : vector<1x128xf32> to vector<10000x128xf32>
    %add3A_30 = arith.addf %mul3A_25, %add3A_29 : vector<10000x128xf32>
    %reduce_sum3A = arith.constant dense<0.000000e+00> : vector<128xf32>
    %reduce_sum3A_31 = vector.multi_reduction <add>, %add3A_30, %reduce_sum3A [0] : vector<10000x128xf32> to vector<128xf32>
    %broadcast_in_dim3A = vector.shape_cast %reduce_sum3A_31 : vector<128xf32> to vector<1x128xf32>
    %div3A = arith.constant 1.000000e+04 : f32
    %div3A_32 = vector.broadcast %div3A : f32 to vector<1x128xf32>
    %div3A_33 = arith.divf %broadcast_in_dim3A, %div3A_32 : vector<1x128xf32>
    %sub3A = vector.broadcast %div3A_33 : vector<1x128xf32> to vector<10000x128xf32>
    %sub3A_34 = arith.subf %add3A_30, %sub3A : vector<10000x128xf32>
    %sub3A_35 = vector.broadcast %div3A_33 : vector<1x128xf32> to vector<10000x128xf32>
    %sub3A_36 = arith.subf %add3A_30, %sub3A_35 : vector<10000x128xf32>
    %mul3A_37 = arith.mulf %sub3A_34, %sub3A_36 : vector<10000x128xf32>
    %reduce_sum3A_38 = arith.constant dense<0.000000e+00> : vector<128xf32>
    %reduce_sum3A_39 = vector.multi_reduction <add>, %mul3A_37, %reduce_sum3A_38 [0] : vector<10000x128xf32> to vector<128xf32>
    %broadcast_in_dim3A_40 = vector.shape_cast %reduce_sum3A_39 : vector<128xf32> to vector<1x128xf32>
    %div3A_41 = arith.constant 1.000000e+04 : f32
    %div3A_42 = vector.broadcast %div3A_41 : f32 to vector<1x128xf32>
    %div3A_43 = arith.divf %broadcast_in_dim3A_40, %div3A_42 : vector<1x128xf32>
    %sub3A_44 = vector.broadcast %div3A_33 : vector<1x128xf32> to vector<10000x128xf32>
    %sub3A_45 = arith.subf %add3A_30, %sub3A_44 : vector<10000x128xf32>
    %add3A_46 = arith.constant 9.99999974E-6 : f32
    %add3A_47 = vector.broadcast %add3A_46 : f32 to vector<1x128xf32>
    %add3A_48 = arith.addf %div3A_43, %add3A_47 : vector<1x128xf32>
    %rsqrt3A_49 = math.rsqrt %add3A_48 : vector<1x128xf32>
    %mul3A_50 = vector.broadcast %rsqrt3A_49 : vector<1x128xf32> to vector<10000x128xf32>
    %mul3A_51 = arith.mulf %sub3A_45, %mul3A_50 : vector<10000x128xf32>
    %get3A_52 = arith.constant 0 : index
    %get3A_53 = arith.constant 0 : index
    %get3A_54 = vector.load %arg4[%get3A_52, %get3A_53] : memref<1x128xf32, #tpu.memory_space<vmem>>, vector<1x128xf32>
    %mul3A_55 = vector.broadcast %get3A_54 : vector<1x128xf32> to vector<10000x128xf32>
    %mul3A_56 = arith.mulf %mul3A_51, %mul3A_55 : vector<10000x128xf32>
    %get3A_57 = arith.constant 0 : index
    %get3A_58 = arith.constant 0 : index
    %get3A_59 = vector.load %arg5[%get3A_57, %get3A_58] : memref<1x128xf32, #tpu.memory_space<vmem>>, vector<1x128xf32>
    %add3A_60 = vector.broadcast %get3A_59 : vector<1x128xf32> to vector<10000x128xf32>
    %add3A_61 = arith.addf %mul3A_56, %add3A_60 : vector<10000x128xf32>
    %max3A_62 = arith.constant 0.000000e+00 : f32
    %max3A_63 = vector.broadcast %max3A_62 : f32 to vector<10000x128xf32>
    %max3A_64 = arith.maximumf %add3A_61, %max3A_63 : vector<10000x128xf32>
    %iota3A = tpu.iota {dimensions = array<i32: 0>} : vector<64x10000xi32>
    %get3A_65 = arith.constant 0 : index
    %get3A_66 = arith.constant 0 : index
    %get3A_67 = vector.load %arg6[%get3A_65, %get3A_66] : memref<1x10000xi32, #tpu.memory_space<vmem>>, vector<1x10000xi32>
    %eq3A = vector.broadcast %get3A_67 : vector<1x10000xi32> to vector<64x10000xi32>
    %eq3A_68 = arith.cmpi eq, %iota3A, %eq3A : vector<64x10000xi32>
    %convert_element_type3A = arith.extui %eq3A_68 : vector<64x10000xi1> to vector<64x10000xi32>
    %convert_element_type3A_69 = arith.sitofp %convert_element_type3A : vector<64x10000xi32> to vector<64x10000xf32>
    %dot_general3A = arith.constant dense<0.000000e+00> : vector<64x128xf32>
    %dot_general3A_70 = tpu.matmul %convert_element_type3A_69, %max3A_64, %dot_general3A {dimension_numbers = #tpu.dot_dimension_numbers<[1], [0], [0], [1], [0, 0, 1, 1], [], []>, transpose_lhs_hint = false} : vector<64x10000xf32>, vector<10000x128xf32>, vector<64x128xf32> -> vector<64x128xf32>
    %reduce_sum3A_71 = arith.constant dense<0.000000e+00> : vector<64xf32>
    %reduce_sum3A_72 = vector.multi_reduction <add>, %convert_element_type3A_69, %reduce_sum3A_71 [1] : vector<64x10000xf32> to vector<64xf32>
    %broadcast_in_dim3A_73 = vector.shape_cast %reduce_sum3A_72 : vector<64xf32> to vector<64x1xf32>
    %max3A_74 = arith.constant 1.000000e+00 : f32
    %max3A_75 = vector.broadcast %max3A_74 : f32 to vector<64x1xf32>
    %max3A_76 = arith.maximumf %broadcast_in_dim3A_73, %max3A_75 : vector<64x1xf32>
    %div3A_77 = vector.broadcast %max3A_76 : vector<64x1xf32> to vector<64x128xf32>
    %div3A_78 = arith.divf %dot_general3A_70, %div3A_77 : vector<64x128xf32>
    %get3A_79 = arith.constant 0 : index
    %get3A_80 = arith.constant 0 : index
    %get3A_81 = vector.load %arg7[%get3A_79, %get3A_80] : memref<128x10xf32, #tpu.memory_space<vmem>>, vector<128x10xf32>
    %dot_general3A_82 = arith.constant dense<0.000000e+00> : vector<64x10xf32>
    %dot_general3A_83 = tpu.matmul %div3A_78, %get3A_81, %dot_general3A_82 {dimension_numbers = #tpu.dot_dimension_numbers<[1], [0], [0], [1], [0, 0, 1, 1], [], []>, transpose_lhs_hint = false} : vector<64x128xf32>, vector<128x10xf32>, vector<64x10xf32> -> vector<64x10xf32>
    %get3A_84 = arith.constant 0 : index
    %get3A_85 = arith.constant 0 : index
    %get3A_86 = vector.load %arg8[%get3A_84, %get3A_85] : memref<1x10xf32, #tpu.memory_space<vmem>>, vector<1x10xf32>
    %add3A_87 = vector.broadcast %get3A_86 : vector<1x10xf32> to vector<64x10xf32>
    %add3A_88 = arith.addf %dot_general3A_83, %add3A_87 : vector<64x10xf32>
    %swap3A = arith.constant 0 : index
    %swap3A_89 = arith.constant 0 : index
    %swap3A_90 = vector.load %arg9[%swap3A, %swap3A_89] : memref<64x10xf32, #tpu.memory_space<vmem>>, vector<64x10xf32>
    tpu.vector_store %arg9[%swap3A, %swap3A_89], %add3A_88 {strides = array<i32>} : memref<64x10xf32, #tpu.memory_space<vmem>>, vector<64x10xf32>,
    return
  }
}

</mosaic_0001>

<sc_bundles>
// kernel: kernel.11.cloned.1.call-start
scs
__scs_entry_jumppad:
0x0: {  	(pc) =	sbr.rel $0x88, $3  }
0x1: {  	(tag) =	ssettag $0x0;
	lr =	simm.s32 $0x1  }
0x2: {  	[smem:$0x3F94] =	sst lr;
	_ =	strace $0xD0000000  }
0x3: {  	_ = 	snop  }
0x4: {  	_ = 	snop  }
0x5: {  	_ = 	snop  }
0x6: {  	_ = 	snop  }
0x7: {  	_ = 	snop  }
__scs_overlays_trampoline_lowered:
0x8: {  	[smem:$0x3FA3] =	sst s0  }
0x9: {  	[smem:$0x3FA4] =	sst s1  }
0xa: {  	[smem:$0x3FA5] =	sst s2  }
0xb: {  	[smem:$0x3FA6] =	sst s3  }
0xc: {  	[smem:$0x3FA7] =	sst s4  }
0xd: {  	[smem:$0x3FA8] =	sst s5  }
0xe: {  	[smem:$0x3FA9] =	sst s6  }
0xf: {  	[smem:$0x3FAA] =	sst s7  }
0x10: {  	[smem:$0x3FAB] =	sst s8  }
0x11: {  	[smem:$0x3FAC] =	sst s9;
	s0 =	simm.s32 @!p0 $0x0  }
0x12: {  	s1 =	sld [smem:$0x3F92];
	s0 =	simm.s32 @p0 $0x1  }
0x13: {  	[smem:$0x3FAD] =	sst s0;
	s0 =	simm.s32 @!p1 $0x0  }
0x14: {  	s2 =	sld [smem:$0x3F91];
	s0 =	simm.s32 @p1 $0x1  }
0x15: {  	[smem:$0x3FAE] =	sst s0;
	s0 =	simm.s32 @!p2 $0x0  }
0x16: {  	s3 =	sld [smem:$0x3FDB];
	s0 =	simm.s32 @p2 $0x1  }
0x17: {  	s4 =	simm.s32 $0x1BF5;
	[smem:$0x3FB0] =	sst s0  }
0x18: {  	s0 =	sld [smem:$0x3F93];
	_ =	swait.ge [sflag:s4], $0x0  }
0x19: {  	s7 =	sld [smem:$0x3F94]  }
0x1a: {  	s8 =	sadd.s32 $0xFFFFE003, lr  }
0x1b: {  	s9 =	sadd.s32 $0xFFFFFEF7, lr;
	s5 =	simm.s32 $0xFFFFFFFF;
	p2 =	slt.u32 s8, $0xFFFFF086  }
0x1c: {  	p1 =	slt.u32 s9, $0xF7A;
	s5 =	simm.s32 @!p2 $0x0  }
0x1d: {  	s5 =	simm.s32 @p1 $0x1;
	p0 =	seq.s32 s7, s2  }
0x1e: {  	s7 =	smul.u32 @!p0 $0xF7A, s2;
	p2 =	seq.s32 @!p0 s5, $0x0  }
0x1f: {  	s9 =	smul.u32 $0xF7A, s1;
	s8 =	simm.s32 @!p0 $0x1BF5;
	p2 =	por !p2, p0  }
0x20: {  	[sflag:s8] =	ssyncset.s32 @!p0 $0xFFFFF086;
	s6 =	sadd.s32 @!p0 s3, s7;
	s7 =	simm.s32 @!p0 $0x108  }
0x21: {  	s3 =	sadd.s32 s3, s9;
	s6 =	sadd.s32 @!p0 $0x88, s6;
	s7 =	simm.s32 @p2 $0x1082  }
0x22: {  	[simem:s7], [sflag:s8] =	dma.local @!p0 [hbm:s6], $0xF7A  }
0x23: {  	s9 =	sor.u32 $0xD0000000, s2;
	s6 =	simm.s32 $0x108;
	_ =	swait.ge @!p0 [sflag:s8], $0x0  }
0x24: {  	s3 =	sadd.s32 $0x88, s3;
	s6 =	simm.s32 @!p1 $0x1082;
	[sflag:s4] =	ssyncset.s32 $0xFFFFF086  }
0x25: {  	[simem:s6], [sflag:s4] =	dma.local [hbm:s3], $0xF7A  }
0x26: {  	[smem:$0x3F94] =	sst s1;
	(tag) =	ssettag s2;
	_ =	strace s9  }
0x27: {  	s1 =	sld [smem:$0x3FA4]  }
0x28: {  	s2 =	sld [smem:$0x3FA5]  }
0x29: {  	s4 =	sld [smem:$0x3FA7]  }
0x2a: {  	p0 =	seq.s32 s5, $0x0;
	s5 =	sld [smem:$0x3FA8]  }
0x2b: {  	s6 =	sld [smem:$0x3FA9]  }
0x2c: {  	s7 =	sld [smem:$0x3FAA]  }
0x2d: {  	s3 =	simm.s32 $0x108;
	s8 =	sld [smem:$0x3FAB]  }
0x2e: {  	s3 =	simm.s32 @!p0 $0x1082;
	s9 =	sld [smem:$0x3FAC]  }
0x2f: {  	lr =	sadd.s32 s0, s3;
	s0 =	sld [smem:$0x3FA3]  }
0x30: {  	s3 =	sld [smem:$0x3FA6]  }
0x31: {  	[smem:$0x3FAF] =	sst s10  }
0x32: {  	s10 =	sld [smem:$0x3FAD];
	_ =	sdelay $0x3  }
0x33: {  	p0 =	seq.s32 s10, $0x1;
	s10 =	sld [smem:$0x3FAF];
	_ =	sdelay $0x3  }
0x34: {  	[smem:$0x3FAF] =	sst s10  }
0x35: {  	s10 =	sld [smem:$0x3FAE];
	_ =	sdelay $0x3  }
0x36: {  	p1 =	seq.s32 s10, $0x1;
	s10 =	sld [smem:$0x3FAF];
	_ =	sdelay $0x3  }
0x37: {  	[smem:$0x3FAF] =	sst s10  }
0x38: {  	s10 =	sld [smem:$0x3FB0]  }
0x39: {  	_ = 	snop;
	(pc) =	sbr.ind lr, $3  }
0x3a: {  	_ = 	snop  }
0x3b: {  	_ = 	snop  }
0x3c: {  	p2 =	seq.s32 s10, $0x1;
	s10 =	sld [smem:$0x3FAF]  }
0x3d: {  	_ =	shalt  }
0x3e: {  	_ =	shalt  }
0x3f: {  	_ =	shalt  }
0x40: {  	_ =	shalt  }
0x41: {  	_ =	shalt  }
0x42: {  	_ =	shalt  }
0x43: {  	_ =	shalt  }
0x44: {  	_ =	shalt  }
0x45: {  	_ =	shalt  }
0x46: {  	_ =	shalt  }
0x47: {  	_ =	shalt  }
0x48: {  	_ =	shalt  }
0x49: {  	_ =	shalt  }
0x4a: {  	_ =	shalt  }
0x4b: {  	_ =	shalt  }
0x4c: {  	_ =	shalt  }
0x4d: {  	_ =	shalt  }
0x4e: {  	_ =	shalt  }
0x4f: {  	_ =	shalt  }
0x50: {  	_ =	shalt  }
0x51: {  	_ =	shalt  }
0x52: {  	_ =	shalt  }
0x53: {  	_ =	shalt  }
0x54: {  	_ =	shalt  }
0x55: {  	_ =	shalt  }
0x56: {  	_ =	shalt  }
0x57: {  	_ =	shalt  }
0x58: {  	_ =	shalt  }
0x59: {  	_ =	shalt  }
0x5a: {  	_ =	shalt  }
0x5b: {  	_ =	shalt  }
0x5c: {  	_ =	shalt  }
0x5d: {  	_ =	shalt  }
0x5e: {  	_ =	shalt  }
0x5f: {  	_ =	shalt  }
0x60: {  	_ =	shalt  }
0x61: {  	_ =	shalt  }
0x62: {  	_ =	shalt  }
0x63: {  	_ =	shalt  }
0x64: {  	_ =	shalt  }
0x65: {  	_ =	shalt  }
0x66: {  	_ =	shalt  }
0x67: {  	_ =	shalt  }
0x68: {  	_ =	shalt  }
0x69: {  	_ =	shalt  }
0x6a: {  	_ =	shalt  }
0x6b: {  	_ =	shalt  }
0x6c: {  	_ =	shalt  }
0x6d: {  	_ =	shalt  }
0x6e: {  	_ =	shalt  }
0x6f: {  	_ =	shalt  }
0x70: {  	_ =	shalt  }
0x71: {  	_ =	shalt  }
0x72: {  	_ =	shalt  }
0x73: {  	_ =	shalt  }
0x74: {  	_ =	shalt  }
0x75: {  	_ =	shalt  }
0x76: {  	_ =	shalt  }
0x77: {  	_ =	shalt  }
0x78: {  	_ =	shalt  }
0x79: {  	_ =	shalt  }
0x7a: {  	_ =	shalt  }
0x7b: {  	_ =	shalt  }
0x7c: {  	_ =	shalt  }
0x7d: {  	_ =	shalt  }
0x7e: {  	_ =	shalt  }
0x7f: {  	_ =	shalt  }
0x80: {  	_ =	shalt  }
0x81: {  	_ =	shalt  }
0x82: {  	_ =	shalt  }
0x83: {  	_ =	shalt  }
0x84: {  	_ =	shalt  }
0x85: {  	_ =	shalt  }
0x86: {  	_ =	shalt  }
0x87: {  	_ =	shalt  }
.Lfunc_end0:
.L_simem_size_0:
called_computation.1_lowered:
.L_overlay_start_0:
0x88: {  	s2 =	sld [smem:$0x3FD9]  }
0x89: {  	s3 =	sld [smem:$0x3FFE];
	_ =	sdelay $0x1  }
0x8a: {  	s1 =	srdreg.scid  }
0x8b: {  	s0 =	sand.u32 $0x1, s1  }
0x8c: {  	s16 =	sshll.u32 s0, $0xA;
	s2 =	sadd.s32 s3, s2  }
0x8d: {  	s2 =	sadd.s32 s2, s16  }
0x8e: {  	[smem:$0x3FBB] =	sst s2  }
0x8f: {  	_ = 	snop  }
0x90: {  	(tm) =	ssettm $0x1  }
0x91: {  	s17 =	sld [smem:$0x3FFB];
	_ =	sdelay $0x3  }
0x92: {  	_ =	strace s17  }
0x93: {  	s2 =	sld [smem:$0x3FFC];
	_ =	sdelay $0x3  }
0x94: {  	_ =	strace s2  }
0x95: {  	s2 =	sld [smem:$0x3FFD];
	_ =	sdelay $0x3  }
0x96: {  	_ =	strace s2  }
0x97: {  	_ =	strace $0x8FFFFFFF  }
0x98: {  	s18 =	sld [smem:$0x3FDB];
	_ =	sdelay $0x1  }
0x99: {  	s19 =	simm.s32 $_scs_section_size  }
0x9a: {  	s4 =	simm.s32 $_size__tile_overlayer_lowered;
	s5 =	simm.s32 $_tile_overlayer_lowered  }
0x9b: {  	s22 =	simm.s32 $0x1BFF;
	s21 =	sshll.u32 s5, $0x1;
	s2 =	sadd.s32 s19, s18  }
0x9c: {  	s6 =	simm.s32 $0x0;
	s20 =	sshll.u32 s4, $0x1;
	s4 =	sadd.s32 s21, s2  }
0x9d: {  	[timem:s6], [sflag:s22] =	dma.local [hbm:s4], s20  }
0x9e: {  	_ =	swait.ge [sflag:s22], s20  }
0x9f: {  	s3 =	ssub.s32 $0x0, s20;
	[sflag:s22] =	ssyncset.done $0x0  }
0xa0: {  	[sflag:s22] =	ssyncadd.s32 s3;
	_ =	sdelay $0x1  }
0xa1: {  	s23 =	simm.s32 $0x1B8B  }
0xa2: {  	_ =	swait.ge [sflag:s23], $0x1  }
0xa3: {  	[sflag:s23] =	ssyncset.done $0x0  }
0xa4: {  	s25 =	simm.s32 $0x1B8E;
	s24 =	sld [smem:$0x3FFE];
	[sflag:s23] =	ssyncadd.s32 $0xFFFFFFFF  }
0xa5: {  	s26 =	simm.s32 $execute0_lowered;
	[smem:$0x3FD2] =	sst s25  }
0xa6: {  	s4 =	sshll.u32 s26, $0x1;
	_ =	strace $0x80000049;
	[dreg:$0x1] =	wrdreg $0xFFFFFFFF  }
0xa7: {  	s28 =	simm.s32 $_size_execute0_lowered;
	s2 =	sadd.s32 s2, s4;
	[dreg:$0x0] =	wrdreg $0x0  }
0xa8: {  	s4 =	sshll.u32 s28, $0x1;
	[dreg:$0x2] =	wrdreg s2  }
0xa9: {  	[dreg:$0x3] =	wrdreg s4  }
0xaa: {  	[dreg:$0x4] =	wrdreg $0xC0  }
0xab: {  	_ =	task [dreg:s6], $0x5FFFF  }
0xac: {  	[dreg:$0x1] =	wrdreg $0xFFFFFFFF  }
0xad: {  	[dreg:$0x0] =	wrdreg $0x60  }
0xae: {  	[dreg:$0x2] =	wrdreg s24  }
0xaf: {  	[dreg:$0x3] =	wrdreg $0xA9000  }
0xb0: {  	[dreg:$0x4] =	wrdreg $0x9  }
0xb1: {  	_ =	task.clear_ibuf [dreg:s6], $0x5FFFF;
	_ =	strace $0x90000049  }
0xb2: {  	s29 =	simm.s32 $0x9;
	_ =	strace $0x8000004B  }
0xb3: {  	_ =	swait.ge [sflag:s29], $0x1  }
0xb4: {  	[sflag:s29] =	ssyncadd.s32 $0xFFFFFFFF  }
0xb5: {  	_ =	strace $0x9000004B  }
0xb6: {  	_ =	sfence  }
0xb7: {  	s30 =	sld [smem:$0x0];
	_ =	sdelay $0x2  }
0xb8: {  	s31 =	sshll.u32 s1, $0xD;
	s1 =	sshrl.u32 s1, $0x2  }
0xb9: {  	s3 =	sand.u32 $0x4000, s31;
	s1 =	sadd.s32 s1, s30  }
0xba: {  	s0 =	sor.u32 s3, s0;
	s1 =	sshll.u32 s1, $0x11  }
0xbb: {  	s0 =	sor.u32 s1, s0  }
0xbc: {  	s0 =	sadd.s32 $0x8F2B, s0  }
0xbd: {  	[sflag:s0] =	ssyncadd.remote.s32 $0x1  }
0xbe: {  	_ =	sfence.sel $0xFFFF  }
0xbf: {  	[dreg:$0x0] =	wrdreg $0xFFFFFFFF;
	(pc) =	sbr.abs _section_cstart, $3  }
0xc0: {  	[dreg:$0x1] =	wrdreg $0xFFFFFFFF  }
0xc1: {  	_ =	task.clear_ibuf [dreg:s6], $0x2FFFF;
	_ =	strace $0x9FFFFFFF  }
0xc2: {  	(tm) =	ssettm $0x7FFFFFFF  }
0xc3: {  	_ =	shalt  }
tec
execute0_lowered:
.L_overlay_start_1:
0x0: {  	(tag) =	ssettag $0x1  }
0x1: {  	s6 =	rddreg [dreg:$0x0]  }
0x2: {  	s2 =	rddreg [dreg:$0x1];
	s0 =	stileid.u32  }
0x3: {  	s3 =	simm.s32 $0x0;
	s4 =	srdreg.scid;
	s14 =	simm.s32 $0x5  }
0x4: {  	s15 =	simm.s32 $0x2800;
	s16 =	simm.s32 $0x2880;
	s17 =	simm.s32 $0x80  }
0x5: {  	s18 =	simm.s32 $0x2900;
	s19 =	simm.s32 $0x6900;
	s20 =	simm.s32 $0x1  }
0x6: {  	s21 =	simm.s32 $0x3;
	s22 =	simm.s32 $0x2;
	s23 =	simm.s32 $0x4  }
0x7: {  	s24 =	simm.s32 $0x2780;
	s25 =	simm.s32 $0x0;
	s5 =	smul.u32 $0x50, s0  }
0x8: {  	[smem:$0x7FF] =	sst s3;
	s7 =	sand.u32 $0x1, s4;
	s28 =	smul.u32 $0x14000, s0  }
0x9: {  	s9 =	smul.u32 $0x50000, s0;
	s31 =	sshll.u32 s0, $0x6;
	p0 =	seq.s32 s7, $0x0  }
0xa: {  	s8 =	smul.u32 $0x140000, s7;
	_ =	strace $0x8000004A;
	s7 =	ssub.s32 $0x2, s7  }
0xb: {  	s4 =	sadd.s32 $0x500, s5;
	s29 =	sshrl.u32 s7, $0x1;
	s30 =	sshrl.u32 s9, $0x2  }
0xc: {  	s4 =	smov.u32 @p0 s5;
	s5 =	sadd.s32 s28, s8;
	s11 =	ssub.s32 s7, s29  }
0xd: {  	s13 =	sadd.s32 s30, s2;
	s4 =	sshll.u32 s4, $0x4;
	s8 =	sshrl.u32 s5, $0x3  }
0xe: {  	s5 =	sadd.s32 $0xD800, s6;
	s11 =	smax.u32 s11, $0x1;
	s13 =	sshrl.u32 s13, $0x3  }
0xf: {  	s12 =	sadd.s32 s4, s6;
	s4 =	sadd.s32 $0x6AE00, s6;
	s10 =	sadd.s32 s8, s6  }
0x10: {  	s6 =	sor.u32 $0x1C05, s31;
	s7 =	sadd.s32 $0x60800, s12;
	s8 =	sadd.s32 $0x3200, s12  }
0x11: {  	s9 =	sadd.s32 $0x3210, s12;
	s10 =	sadd.s32 $0x92E00, s10;
	s12 =	sadd.s32 $0x3230, s12  }
.LBB2_1:
0x12: {  	[spmem:s13], [sflag:s6] =	dma.local [hbm:s5], $0x2800  }
0x13: {  	_ =	swait.ge [sflag:s14], $0x2800  }
0x14: {  	[sflag:s14] =	ssyncset.done $0x0  }
0x15: {  	[sflag:s14] =	ssyncadd.s32 $0xFFFFD800  }
0x16: {  	[tilespmem:s3], [sflag:$0x5] =	stream.linear.gather [hbm4b:s7+s3], $0x2800, $0x38;
	[tilespmem:$0x1E900] =	vst v63  }
0x17: {  	_ =	swait.ge [sflag:s14], $0x2800  }
0x18: {  	[sflag:s14] =	ssyncset.done $0x0  }
0x19: {  	[sflag:s14] =	ssyncadd.s32 $0xFFFFD800  }
0x1a: {  	[bflag:$0x0] =	sbarrier.arrive $0xFFFF  }
0x1b: {  	[tilespmem:s15], [sflag:$0x3] =	stream.linear.gather [hbm4b:s8+s3], $0x80, $0x38;
	[tilespmem:$0x1E900] =	vst v63  }
0x1c: {  	_ = 	snop  }
0x1d: {  	[tilespmem:s16], [sflag:$0x4] =	stream.linear.gather [hbm4b:s9+s3], $0x80, $0x38;
	[tilespmem:$0x1E900] =	vst v63  }
0x1e: {  	_ = 	snop  }
0x1f: {  	[tilespmem:s18], [sflag:$0x1] =	stream.indirect.gather [hbm4b:s4+s17], $0x80, s3, s17, $0xb8;
	[tilespmem:$0x1E900] =	vst v63  }
0x20: {  	s26 =	simm.s32 $0x80  }
0x21: {  	[tilespmem:s19], [sflag:$0x2] =	stream.indirect.gather [hbm4b:s4+s17], $0x80, s26, s17, $0xb8;
	[tilespmem:$0x1E900] =	vst v63  }
0x22: {  	_ =	swait.ge [sflag:s20], $0x4000  }
0x23: {  	[sflag:s20] =	ssyncset.done $0x0  }
0x24: {  	[sflag:s20] =	ssyncadd.s32 $0xFFFFC000  }
0x25: {  	_ =	swait.ge [sflag:s21], $0x80  }
0x26: {  	[sflag:s21] =	ssyncset.done $0x0  }
0x27: {  	[sflag:s21] =	ssyncadd.s32 $0xFFFFFF80  }
0x28: {  	[spmem:s2] =	stream.indirect.scatter.add.f32 [tilespmem:s18], [sflag:$0x5], $0x80, s15, s17, $0xb8;
	[tilespmem:$0x1E900] =	vst v63  }
0x29: {  	_ =	swait.ge [sflag:s14], $0x4000  }
0x2a: {  	[sflag:s14] =	ssyncset.done $0x0  }
0x2b: {  	s1 =	sadd.s32 $0xFFFFFFF0, s12;
	[sflag:s14] =	ssyncadd.s32 $0xFFFFC000  }
0x2c: {  	[tilespmem:s15], [sflag:$0x3] =	stream.linear.gather [hbm4b:s1+s3], $0x80, $0x38;
	[tilespmem:$0x1E900] =	vst v63  }
0x2d: {  	s31 =	simm.s32 $0x100  }
0x2e: {  	[tilespmem:s18], [sflag:$0x1] =	stream.indirect.gather [hbm4b:s4+s17], $0x80, s31, s17, $0xb8;
	[tilespmem:$0x1E900] =	vst v63  }
0x2f: {  	_ =	swait.ge [sflag:s22], $0x4000  }
0x30: {  	[sflag:s22] =	ssyncset.done $0x0  }
0x31: {  	[sflag:s22] =	ssyncadd.s32 $0xFFFFC000  }
0x32: {  	_ =	swait.ge [sflag:s23], $0x80  }
0x33: {  	[sflag:s23] =	ssyncset.done $0x0  }
0x34: {  	[sflag:s23] =	ssyncadd.s32 $0xFFFFFF80  }
0x35: {  	[spmem:s2] =	stream.indirect.scatter.add.f32 [tilespmem:s19], [sflag:$0x5], $0x80, s16, s17, $0xb8;
	[tilespmem:$0x1E900] =	vst v63  }
0x36: {  	_ =	swait.ge [sflag:s14], $0x4000  }
0x37: {  	s28 =	simm.s32 $0xFFFFDA00;
	s30 =	simm.s32 $0xFFFF6C00;
	[sflag:s14] =	ssyncset.done $0x0  }
0x38: {  	s29 =	smov.u32 s12;
	s26 =	sadd.s32 $0x20, s12;
	[sflag:s14] =	ssyncadd.s32 $0xFFFFC000  }
.LBB2_2:
0x39: {  	[tilespmem:s16], [sflag:$0x4] =	stream.linear.gather [hbm4b:s29+s3], $0x80, $0x38;
	[tilespmem:$0x1E900] =	vst v63  }
0x3a: {  	s31 =	smov.u32 s30;
	s29 =	smov.u32 s26  }
0x3b: {  	s0 =	sadd.s32 $0x400, s30;
	s1 =	sadd.s32 $0x2780, s28;
	s31 =	sshra.s32 s31, $0x2  }
0x3c: {  	[tilespmem:s19], [sflag:$0x2] =	stream.indirect.gather [hbm4b:s4+s17], $0x80, s1, s17, $0xb8;
	[tilespmem:$0x1E900] =	vst v63  }
0x3d: {  	p0 =	sne.s32 s30, $0xFFFFFC00;
	_ =	swait.ge [sflag:s20], $0x4000  }
0x3e: {  	[sflag:s20] =	ssyncset.done $0x0  }
0x3f: {  	[sflag:s20] =	ssyncadd.s32 $0xFFFFC000  }
0x40: {  	_ =	swait.ge [sflag:s21], $0x80  }
0x41: {  	[sflag:s21] =	ssyncset.done $0x0  }
0x42: {  	[sflag:s21] =	ssyncadd.s32 $0xFFFFFF80  }
0x43: {  	[spmem:s2] =	stream.indirect.scatter.add.f32 [tilespmem:s18], [sflag:$0x5], $0x80, s15, s17, $0xb8;
	[tilespmem:$0x1E900] =	vst v63  }
0x44: {  	_ =	swait.ge [sflag:s14], $0x4000  }
0x45: {  	[sflag:s14] =	ssyncset.done $0x0  }
0x46: {  	s1 =	sadd.s32 $0xFFFFFFF0, s26;
	[sflag:s14] =	ssyncadd.s32 $0xFFFFC000  }
0x47: {  	[tilespmem:s15], [sflag:$0x3] =	stream.linear.gather [hbm4b:s1+s3], $0x80, $0x38;
	[tilespmem:$0x1E900] =	vst v63  }
0x48: {  	s1 =	sadd.s32 $0x2800, s28;
	s28 =	smov.u32 s31  }
0x49: {  	[tilespmem:s18], [sflag:$0x1] =	stream.indirect.gather [hbm4b:s4+s17], $0x80, s1, s17, $0xb8;
	[tilespmem:$0x1E900] =	vst v63  }
0x4a: {  	_ =	swait.ge [sflag:s22], $0x4000  }
0x4b: {  	[sflag:s22] =	ssyncset.done $0x0  }
0x4c: {  	[sflag:s22] =	ssyncadd.s32 $0xFFFFC000  }
0x4d: {  	_ =	swait.ge [sflag:s23], $0x80  }
0x4e: {  	[sflag:s23] =	ssyncset.done $0x0  }
.Ltmp0:
0x4f: {  	[sflag:s23] =	ssyncadd.s32 $0xFFFFFF80;
	(pc) =	sbr.rel @p0 .LBB2_2-.Ltmp0, $4  }
0x50: {  	[spmem:s2] =	stream.indirect.scatter.add.f32 [tilespmem:s19], [sflag:$0x5], $0x80, s16, s17, $0xb8;
	[tilespmem:$0x1E900] =	vst v63  }
0x51: {  	_ =	swait.ge [sflag:s14], $0x4000  }
0x52: {  	[sflag:s14] =	ssyncset.done $0x0  }
0x53: {  	s30 =	smov.u32 s0;
	s26 =	sadd.s32 $0x20, s26;
	[sflag:s14] =	ssyncadd.s32 $0xFFFFC000  }
0x54: {  	[tilespmem:s16], [sflag:$0x4] =	stream.linear.gather [hbm4b:s29+s3], $0x80, $0x38;
	[tilespmem:$0x1E900] =	vst v63  }
0x55: {  	s0 =	sadd.s32 $0x2780, s28  }
0x56: {  	[tilespmem:s19], [sflag:$0x2] =	stream.indirect.gather [hbm4b:s4+s17], $0x80, s0, s17, $0xb8;
	[tilespmem:$0x1E900] =	vst v63  }
0x57: {  	_ =	swait.ge [sflag:s20], $0x4000  }
0x58: {  	[sflag:s20] =	ssyncset.done $0x0  }
0x59: {  	[sflag:s20] =	ssyncadd.s32 $0xFFFFC000  }
0x5a: {  	_ =	swait.ge [sflag:s21], $0x80  }
0x5b: {  	[sflag:s21] =	ssyncset.done $0x0  }
0x5c: {  	[sflag:s21] =	ssyncadd.s32 $0xFFFFFF80  }
0x5d: {  	[spmem:s2] =	stream.indirect.scatter.add.f32 [tilespmem:s18], [sflag:$0x5], $0x80, s15, s17, $0xb8;
	[tilespmem:$0x1E900] =	vst v63  }
0x5e: {  	_ =	swait.ge [sflag:s14], $0x4000  }
0x5f: {  	[sflag:s14] =	ssyncset.done $0x0  }
0x60: {  	s30 =	sadd.s32 $0xFFFFFFF0, s26;
	[sflag:s14] =	ssyncadd.s32 $0xFFFFC000  }
0x61: {  	[tilespmem:s15], [sflag:$0x3] =	stream.linear.gather [hbm4b:s30+s3], $0x80, $0x38;
	[tilespmem:$0x1E900] =	vst v63  }
0x62: {  	s31 =	sadd.s32 $0x2800, s28  }
0x63: {  	[tilespmem:s18], [sflag:$0x1] =	stream.indirect.gather [hbm4b:s4+s17], $0x80, s31, s17, $0xb8;
	[tilespmem:$0x1E900] =	vst v63  }
0x64: {  	_ =	swait.ge [sflag:s22], $0x4000  }
0x65: {  	[sflag:s22] =	ssyncset.done $0x0  }
0x66: {  	[sflag:s22] =	ssyncadd.s32 $0xFFFFC000  }
0x67: {  	_ =	swait.ge [sflag:s23], $0x80  }
0x68: {  	[sflag:s23] =	ssyncset.done $0x0  }
0x69: {  	[sflag:s23] =	ssyncadd.s32 $0xFFFFFF80  }
0x6a: {  	[spmem:s2] =	stream.indirect.scatter.add.f32 [tilespmem:s19], [sflag:$0x5], $0x80, s16, s17, $0xb8;
	[tilespmem:$0x1E900] =	vst v63  }
0x6b: {  	_ =	swait.ge [sflag:s14], $0x4000  }
0x6c: {  	[sflag:s14] =	ssyncset.done $0x0  }
0x6d: {  	[sflag:s14] =	ssyncadd.s32 $0xFFFFC000  }
0x6e: {  	[tilespmem:s16], [sflag:$0x4] =	stream.linear.gather [hbm4b:s26+s3], $0x80, $0x38;
	[tilespmem:$0x1E900] =	vst v63  }
0x6f: {  	_ = 	snop  }
0x70: {  	[tilespmem:s19], [sflag:$0x2] =	stream.indirect.gather [hbm4b:s4+s17], $0x80, s24, s17, $0xb8;
	[tilespmem:$0x1E900] =	vst v63  }
0x71: {  	_ =	swait.ge [sflag:s20], $0x4000  }
0x72: {  	[sflag:s20] =	ssyncset.done $0x0  }
0x73: {  	[sflag:s20] =	ssyncadd.s32 $0xFFFFC000  }
0x74: {  	_ =	swait.ge [sflag:s21], $0x80  }
0x75: {  	[sflag:s21] =	ssyncset.done $0x0  }
0x76: {  	[sflag:s21] =	ssyncadd.s32 $0xFFFFFF80  }
0x77: {  	[spmem:s2] =	stream.indirect.scatter.add.f32 [tilespmem:s18], [sflag:$0x5], $0x80, s15, s17, $0xb8;
	[tilespmem:$0x1E900] =	vst v63  }
0x78: {  	_ =	swait.ge [sflag:s14], $0x4000  }
0x79: {  	[sflag:s14] =	ssyncset.done $0x0  }
0x7a: {  	[sflag:s14] =	ssyncadd.s32 $0xFFFFC000  }
0x7b: {  	_ =	swait.ge [sflag:s22], $0x4000  }
0x7c: {  	[sflag:s22] =	ssyncset.done $0x0  }
0x7d: {  	[sflag:s22] =	ssyncadd.s32 $0xFFFFC000  }
0x7e: {  	_ =	swait.ge [sflag:s23], $0x80  }
0x7f: {  	[sflag:s23] =	ssyncset.done $0x0  }
0x80: {  	[sflag:s23] =	ssyncadd.s32 $0xFFFFFF80  }
0x81: {  	[spmem:s2] =	stream.indirect.scatter.add.f32 [tilespmem:s19], [sflag:$0x5], $0x80, s16, s17, $0xb8;
	[tilespmem:$0x1E900] =	vst v63  }
0x82: {  	_ =	swait.ge [sflag:s14], $0x4000  }
0x83: {  	s25 =	sadd.s32 $0x1, s25;
	[sflag:s14] =	ssyncset.done $0x0  }
0x84: {  	p0 =	sne.s32 s25, s11;
	[sflag:s14] =	ssyncadd.s32 $0xFFFFC000  }
.Ltmp1:
0x85: {  	[bflag:$0x0] =	sbarrier.arrive $0xFFFF;
	(pc) =	sbr.rel @p0 .LBB2_1-.Ltmp1, $4  }
0x86: {  	[hbm:s10], [sflag:s6] =	dma.local [spmem:s13], $0x2800  }
0x87: {  	_ =	swait.ge [sflag:s14], $0x2800  }
0x88: {  	[sflag:s14] =	ssyncset.done $0x0  }
0x89: {  	[sflag:s14] =	ssyncadd.s32 $0xFFFFD800  }
0x8a: {  	_ =	sfence.sel $0x180000  }
0x8b: {  	[bflag:$0x0] =	sbarrier.arrive $0xFFFF  }
0x8c: {  	_ =	strace $0x9000004A  }
0x8d: {  	s0 =	stileid.u32;
	[bflag:$0x2] =	sbarrier.arrive $0xFFFF  }
0x8e: {  	p0 =	sne.s32 s0, $0x0;
	s0 =	rddreg [dreg:$0x2]  }
0x8f: {  	s0 =	sadd.s32 @!p0 $0x100000, s0  }
0x90: {  	[sflag:s0] =	ssyncadd.tile.s32 @!p0 $0x1;
	_ =	shalt  }
.Lfunc_end2:
_tile_overlayer_lowered:
.L_overlay_start_2:
0x91: {  	(tag) =	ssettag $0x2  }
0x92: {  	s0 =	rddreg [dreg:$0x0];
	s2 =	stileid.u32  }
0x93: {  	s1 =	rddreg [dreg:$0x1];
	p0 =	sne.s32 s2, $0x0  }
0x94: {  	s3 =	rddreg [dreg:$0x2];
	[bflag:$0x3] =	sbarrier.arrive $0xFFFF;
	s2 =	simm.s32 @!p0 $0x1C05  }
0x95: {  	[timem:s3], [sflag:s2] =	dma.local @!p0 [hbm:s0], s1  }
0x96: {  	s0 =	simm.s32 @!p0 $0x5  }
0x97: {  	_ =	swait.ge @!p0 [sflag:s0], s1  }
0x98: {  	s1 =	ssub.s32 @!p0 $0x0, s1;
	[sflag:s0] =	ssyncset.done @!p0 $0x0  }
0x99: {  	[sflag:s0] =	ssyncadd.s32 @!p0 s1  }
0x9a: {  	[bflag:$0x3] =	sbarrier.arrive $0xFFFF  }
0x9b: {  	_ =	shalt  }

// kernel: kernel.14.cloned.1.call-start
scs
__scs_entry_jumppad:
0x0: {  	(pc) =	sbr.rel $0x88, $3  }
0x1: {  	(tag) =	ssettag $0x0;
	lr =	simm.s32 $0x1  }
0x2: {  	[smem:$0x3F94] =	sst lr;
	_ =	strace $0xD0000000  }
0x3: {  	_ = 	snop  }
0x4: {  	_ = 	snop  }
0x5: {  	_ = 	snop  }
0x6: {  	_ = 	snop  }
0x7: {  	_ = 	snop  }
__scs_overlays_trampoline_lowered:
0x8: {  	[smem:$0x3FA3] =	sst s0  }
0x9: {  	[smem:$0x3FA4] =	sst s1  }
0xa: {  	[smem:$0x3FA5] =	sst s2  }
0xb: {  	[smem:$0x3FA6] =	sst s3  }
0xc: {  	[smem:$0x3FA7] =	sst s4  }
0xd: {  	[smem:$0x3FA8] =	sst s5  }
0xe: {  	[smem:$0x3FA9] =	sst s6  }
0xf: {  	[smem:$0x3FAA] =	sst s7  }
0x10: {  	[smem:$0x3FAB] =	sst s8  }
0x11: {  	[smem:$0x3FAC] =	sst s9;
	s0 =	simm.s32 @!p0 $0x0  }
0x12: {  	s1 =	sld [smem:$0x3F92];
	s0 =	simm.s32 @p0 $0x1  }
0x13: {  	[smem:$0x3FAD] =	sst s0;
	s0 =	simm.s32 @!p1 $0x0  }
0x14: {  	s2 =	sld [smem:$0x3F91];
	s0 =	simm.s32 @p1 $0x1  }
0x15: {  	[smem:$0x3FAE] =	sst s0;
	s0 =	simm.s32 @!p2 $0x0  }
0x16: {  	s3 =	sld [smem:$0x3FDB];
	s0 =	simm.s32 @p2 $0x1  }
0x17: {  	s4 =	simm.s32 $0x1BF5;
	[smem:$0x3FB0] =	sst s0  }
0x18: {  	s0 =	sld [smem:$0x3F93];
	_ =	swait.ge [sflag:s4], $0x0  }
0x19: {  	s7 =	sld [smem:$0x3F94]  }
0x1a: {  	s8 =	sadd.s32 $0xFFFFE003, lr  }
0x1b: {  	s9 =	sadd.s32 $0xFFFFFEF7, lr;
	s5 =	simm.s32 $0xFFFFFFFF;
	p2 =	slt.u32 s8, $0xFFFFF086  }
0x1c: {  	p1 =	slt.u32 s9, $0xF7A;
	s5 =	simm.s32 @!p2 $0x0  }
0x1d: {  	s5 =	simm.s32 @p1 $0x1;
	p0 =	seq.s32 s7, s2  }
0x1e: {  	s7 =	smul.u32 @!p0 $0xF7A, s2;
	p2 =	seq.s32 @!p0 s5, $0x0  }
0x1f: {  	s9 =	smul.u32 $0xF7A, s1;
	s8 =	simm.s32 @!p0 $0x1BF5;
	p2 =	por !p2, p0  }
0x20: {  	[sflag:s8] =	ssyncset.s32 @!p0 $0xFFFFF086;
	s6 =	sadd.s32 @!p0 s3, s7;
	s7 =	simm.s32 @!p0 $0x108  }
0x21: {  	s3 =	sadd.s32 s3, s9;
	s6 =	sadd.s32 @!p0 $0x88, s6;
	s7 =	simm.s32 @p2 $0x1082  }
0x22: {  	[simem:s7], [sflag:s8] =	dma.local @!p0 [hbm:s6], $0xF7A  }
0x23: {  	s9 =	sor.u32 $0xD0000000, s2;
	s6 =	simm.s32 $0x108;
	_ =	swait.ge @!p0 [sflag:s8], $0x0  }
0x24: {  	s3 =	sadd.s32 $0x88, s3;
	s6 =	simm.s32 @!p1 $0x1082;
	[sflag:s4] =	ssyncset.s32 $0xFFFFF086  }
0x25: {  	[simem:s6], [sflag:s4] =	dma.local [hbm:s3], $0xF7A  }
0x26: {  	[smem:$0x3F94] =	sst s1;
	(tag) =	ssettag s2;
	_ =	strace s9  }
0x27: {  	s1 =	sld [smem:$0x3FA4]  }
0x28: {  	s2 =	sld [smem:$0x3FA5]  }
0x29: {  	s4 =	sld [smem:$0x3FA7]  }
0x2a: {  	p0 =	seq.s32 s5, $0x0;
	s5 =	sld [smem:$0x3FA8]  }
0x2b: {  	s6 =	sld [smem:$0x3FA9]  }
0x2c: {  	s7 =	sld [smem:$0x3FAA]  }
0x2d: {  	s3 =	simm.s32 $0x108;
	s8 =	sld [smem:$0x3FAB]  }
0x2e: {  	s3 =	simm.s32 @!p0 $0x1082;
	s9 =	sld [smem:$0x3FAC]  }
0x2f: {  	lr =	sadd.s32 s0, s3;
	s0 =	sld [smem:$0x3FA3]  }
0x30: {  	s3 =	sld [smem:$0x3FA6]  }
0x31: {  	[smem:$0x3FAF] =	sst s10  }
0x32: {  	s10 =	sld [smem:$0x3FAD];
	_ =	sdelay $0x3  }
0x33: {  	p0 =	seq.s32 s10, $0x1;
	s10 =	sld [smem:$0x3FAF];
	_ =	sdelay $0x3  }
0x34: {  	[smem:$0x3FAF] =	sst s10  }
0x35: {  	s10 =	sld [smem:$0x3FAE];
	_ =	sdelay $0x3  }
0x36: {  	p1 =	seq.s32 s10, $0x1;
	s10 =	sld [smem:$0x3FAF];
	_ =	sdelay $0x3  }
0x37: {  	[smem:$0x3FAF] =	sst s10  }
0x38: {  	s10 =	sld [smem:$0x3FB0]  }
0x39: {  	_ = 	snop;
	(pc) =	sbr.ind lr, $3  }
0x3a: {  	_ = 	snop  }
0x3b: {  	_ = 	snop  }
0x3c: {  	p2 =	seq.s32 s10, $0x1;
	s10 =	sld [smem:$0x3FAF]  }
0x3d: {  	_ =	shalt  }
0x3e: {  	_ =	shalt  }
0x3f: {  	_ =	shalt  }
0x40: {  	_ =	shalt  }
0x41: {  	_ =	shalt  }
0x42: {  	_ =	shalt  }
0x43: {  	_ =	shalt  }
0x44: {  	_ =	shalt  }
0x45: {  	_ =	shalt  }
0x46: {  	_ =	shalt  }
0x47: {  	_ =	shalt  }
0x48: {  	_ =	shalt  }
0x49: {  	_ =	shalt  }
0x4a: {  	_ =	shalt  }
0x4b: {  	_ =	shalt  }
0x4c: {  	_ =	shalt  }
0x4d: {  	_ =	shalt  }
0x4e: {  	_ =	shalt  }
0x4f: {  	_ =	shalt  }
0x50: {  	_ =	shalt  }
0x51: {  	_ =	shalt  }
0x52: {  	_ =	shalt  }
0x53: {  	_ =	shalt  }
0x54: {  	_ =	shalt  }
0x55: {  	_ =	shalt  }
0x56: {  	_ =	shalt  }
0x57: {  	_ =	shalt  }
0x58: {  	_ =	shalt  }
0x59: {  	_ =	shalt  }
0x5a: {  	_ =	shalt  }
0x5b: {  	_ =	shalt  }
0x5c: {  	_ =	shalt  }
0x5d: {  	_ =	shalt  }
0x5e: {  	_ =	shalt  }
0x5f: {  	_ =	shalt  }
0x60: {  	_ =	shalt  }
0x61: {  	_ =	shalt  }
0x62: {  	_ =	shalt  }
0x63: {  	_ =	shalt  }
0x64: {  	_ =	shalt  }
0x65: {  	_ =	shalt  }
0x66: {  	_ =	shalt  }
0x67: {  	_ =	shalt  }
0x68: {  	_ =	shalt  }
0x69: {  	_ =	shalt  }
0x6a: {  	_ =	shalt  }
0x6b: {  	_ =	shalt  }
0x6c: {  	_ =	shalt  }
0x6d: {  	_ =	shalt  }
0x6e: {  	_ =	shalt  }
0x6f: {  	_ =	shalt  }
0x70: {  	_ =	shalt  }
0x71: {  	_ =	shalt  }
0x72: {  	_ =	shalt  }
0x73: {  	_ =	shalt  }
0x74: {  	_ =	shalt  }
0x75: {  	_ =	shalt  }
0x76: {  	_ =	shalt  }
0x77: {  	_ =	shalt  }
0x78: {  	_ =	shalt  }
0x79: {  	_ =	shalt  }
0x7a: {  	_ =	shalt  }
0x7b: {  	_ =	shalt  }
0x7c: {  	_ =	shalt  }
0x7d: {  	_ =	shalt  }
0x7e: {  	_ =	shalt  }
0x7f: {  	_ =	shalt  }
0x80: {  	_ =	shalt  }
0x81: {  	_ =	shalt  }
0x82: {  	_ =	shalt  }
0x83: {  	_ =	shalt  }
0x84: {  	_ =	shalt  }
0x85: {  	_ =	shalt  }
0x86: {  	_ =	shalt  }
0x87: {  	_ =	shalt  }
.Lfunc_end0:
.L_simem_size_0:
called_computation.2_lowered:
.L_overlay_start_0:
0x88: {  	s2 =	sld [smem:$0x3FD9]  }
0x89: {  	s3 =	sld [smem:$0x3FFE];
	_ =	sdelay $0x1  }
0x8a: {  	s1 =	srdreg.scid  }
0x8b: {  	s0 =	sand.u32 $0x1, s1  }
0x8c: {  	s16 =	sshll.u32 s0, $0xA;
	s2 =	sadd.s32 s3, s2  }
0x8d: {  	s2 =	sadd.s32 s2, s16  }
0x8e: {  	[smem:$0x3FBB] =	sst s2  }
0x8f: {  	_ = 	snop  }
0x90: {  	(tm) =	ssettm $0x1  }
0x91: {  	s17 =	sld [smem:$0x3FFB];
	_ =	sdelay $0x3  }
0x92: {  	_ =	strace s17  }
0x93: {  	s2 =	sld [smem:$0x3FFC];
	_ =	sdelay $0x3  }
0x94: {  	_ =	strace s2  }
0x95: {  	s2 =	sld [smem:$0x3FFD];
	_ =	sdelay $0x3  }
0x96: {  	_ =	strace s2  }
0x97: {  	_ =	strace $0x8FFFFFFF  }
0x98: {  	s18 =	sld [smem:$0x3FDB];
	_ =	sdelay $0x1  }
0x99: {  	s19 =	simm.s32 $_scs_section_size  }
0x9a: {  	s4 =	simm.s32 $_size__tile_overlayer_lowered;
	s5 =	simm.s32 $_tile_overlayer_lowered  }
0x9b: {  	s22 =	simm.s32 $0x1BFF;
	s21 =	sshll.u32 s5, $0x1;
	s2 =	sadd.s32 s19, s18  }
0x9c: {  	s6 =	simm.s32 $0x0;
	s20 =	sshll.u32 s4, $0x1;
	s4 =	sadd.s32 s21, s2  }
0x9d: {  	[timem:s6], [sflag:s22] =	dma.local [hbm:s4], s20  }
0x9e: {  	_ =	swait.ge [sflag:s22], s20  }
0x9f: {  	s3 =	ssub.s32 $0x0, s20;
	[sflag:s22] =	ssyncset.done $0x0  }
0xa0: {  	[sflag:s22] =	ssyncadd.s32 s3;
	_ =	sdelay $0x1  }
0xa1: {  	s23 =	simm.s32 $0x1B8B  }
0xa2: {  	_ =	swait.ge [sflag:s23], $0x1  }
0xa3: {  	[sflag:s23] =	ssyncset.done $0x0  }
0xa4: {  	s25 =	simm.s32 $0x1B8E;
	s24 =	sld [smem:$0x3FFE];
	[sflag:s23] =	ssyncadd.s32 $0xFFFFFFFF  }
0xa5: {  	s26 =	simm.s32 $execute0_lowered;
	[smem:$0x3FD2] =	sst s25  }
0xa6: {  	s4 =	sshll.u32 s26, $0x1;
	_ =	strace $0x8000004C;
	[dreg:$0x1] =	wrdreg $0xFFFFFFFF  }
0xa7: {  	s28 =	simm.s32 $_size_execute0_lowered;
	s2 =	sadd.s32 s2, s4;
	[dreg:$0x0] =	wrdreg $0x0  }
0xa8: {  	s4 =	sshll.u32 s28, $0x1;
	[dreg:$0x2] =	wrdreg s2  }
0xa9: {  	[dreg:$0x3] =	wrdreg s4  }
0xaa: {  	[dreg:$0x4] =	wrdreg $0xC0  }
0xab: {  	_ =	task [dreg:s6], $0x5FFFF  }
0xac: {  	[dreg:$0x1] =	wrdreg $0xFFFFFFFF  }
0xad: {  	[dreg:$0x0] =	wrdreg $0x60  }
0xae: {  	[dreg:$0x2] =	wrdreg s24  }
0xaf: {  	[dreg:$0x3] =	wrdreg $0xA9000  }
0xb0: {  	[dreg:$0x4] =	wrdreg $0x9  }
0xb1: {  	_ =	task.clear_ibuf [dreg:s6], $0x5FFFF;
	_ =	strace $0x9000004C  }
0xb2: {  	s29 =	simm.s32 $0x9;
	_ =	strace $0x8000004E  }
0xb3: {  	_ =	swait.ge [sflag:s29], $0x1  }
0xb4: {  	[sflag:s29] =	ssyncadd.s32 $0xFFFFFFFF  }
0xb5: {  	_ =	strace $0x9000004E  }
0xb6: {  	_ =	sfence  }
0xb7: {  	s30 =	sld [smem:$0x0];
	_ =	sdelay $0x2  }
0xb8: {  	s31 =	sshll.u32 s1, $0xD;
	s1 =	sshrl.u32 s1, $0x2  }
0xb9: {  	s3 =	sand.u32 $0x4000, s31;
	s1 =	sadd.s32 s1, s30  }
0xba: {  	s0 =	sor.u32 s3, s0;
	s1 =	sshll.u32 s1, $0x11  }
0xbb: {  	s0 =	sor.u32 s1, s0  }
0xbc: {  	s0 =	sadd.s32 $0x8F2B, s0  }
0xbd: {  	[sflag:s0] =	ssyncadd.remote.s32 $0x1  }
0xbe: {  	_ =	sfence.sel $0xFFFF  }
0xbf: {  	[dreg:$0x0] =	wrdreg $0xFFFFFFFF;
	(pc) =	sbr.abs _section_cstart, $3  }
0xc0: {  	[dreg:$0x1] =	wrdreg $0xFFFFFFFF  }
0xc1: {  	_ =	task.clear_ibuf [dreg:s6], $0x2FFFF;
	_ =	strace $0x9FFFFFFF  }
0xc2: {  	(tm) =	ssettm $0x7FFFFFFF  }
0xc3: {  	_ =	shalt  }
tec
execute0_lowered:
.L_overlay_start_1:
0x0: {  	(tag) =	ssettag $0x1  }
0x1: {  	s6 =	rddreg [dreg:$0x0]  }
0x2: {  	s2 =	rddreg [dreg:$0x1];
	s0 =	stileid.u32  }
0x3: {  	s3 =	simm.s32 $0x0;
	s4 =	srdreg.scid;
	s14 =	simm.s32 $0x5  }
0x4: {  	s15 =	simm.s32 $0x2800;
	s16 =	simm.s32 $0x2880;
	s17 =	simm.s32 $0x80  }
0x5: {  	s18 =	simm.s32 $0x2900;
	s19 =	simm.s32 $0x6900;
	s20 =	simm.s32 $0x1  }
0x6: {  	s21 =	simm.s32 $0x3;
	s22 =	simm.s32 $0x2;
	s23 =	simm.s32 $0x4  }
0x7: {  	s24 =	simm.s32 $0x2780;
	s25 =	simm.s32 $0x0;
	s5 =	smul.u32 $0x50, s0  }
0x8: {  	[smem:$0x7FF] =	sst s3;
	s7 =	sand.u32 $0x1, s4;
	s28 =	smul.u32 $0x14000, s0  }
0x9: {  	s9 =	smul.u32 $0x50000, s0;
	s31 =	sshll.u32 s0, $0x6;
	p0 =	seq.s32 s7, $0x0  }
0xa: {  	s8 =	smul.u32 $0x140000, s7;
	_ =	strace $0x8000004D;
	s7 =	ssub.s32 $0x2, s7  }
0xb: {  	s4 =	sadd.s32 $0x500, s5;
	s29 =	sshrl.u32 s7, $0x1;
	s30 =	sshrl.u32 s9, $0x2  }
0xc: {  	s4 =	smov.u32 @p0 s5;
	s5 =	sadd.s32 s28, s8;
	s11 =	ssub.s32 s7, s29  }
0xd: {  	s13 =	sadd.s32 s30, s2;
	s4 =	sshll.u32 s4, $0x4;
	s8 =	sshrl.u32 s5, $0x3  }
0xe: {  	s5 =	sadd.s32 $0xD800, s6;
	s11 =	smax.u32 s11, $0x1;
	s13 =	sshrl.u32 s13, $0x3  }
0xf: {  	s12 =	sadd.s32 s4, s6;
	s4 =	sadd.s32 $0x6AE00, s6;
	s10 =	sadd.s32 s8, s6  }
0x10: {  	s6 =	sor.u32 $0x1C05, s31;
	s7 =	sadd.s32 $0x60800, s12;
	s8 =	sadd.s32 $0x3200, s12  }
0x11: {  	s9 =	sadd.s32 $0x3210, s12;
	s10 =	sadd.s32 $0x92E00, s10;
	s12 =	sadd.s32 $0x3230, s12  }
.LBB2_1:
0x12: {  	[spmem:s13], [sflag:s6] =	dma.local [hbm:s5], $0x2800  }
0x13: {  	_ =	swait.ge [sflag:s14], $0x2800  }
0x14: {  	[sflag:s14] =	ssyncset.done $0x0  }
0x15: {  	[sflag:s14] =	ssyncadd.s32 $0xFFFFD800  }
0x16: {  	[tilespmem:s3], [sflag:$0x5] =	stream.linear.gather [hbm4b:s7+s3], $0x2800, $0x38;
	[tilespmem:$0x1E900] =	vst v63  }
0x17: {  	_ =	swait.ge [sflag:s14], $0x2800  }
0x18: {  	[sflag:s14] =	ssyncset.done $0x0  }
0x19: {  	[sflag:s14] =	ssyncadd.s32 $0xFFFFD800  }
0x1a: {  	[bflag:$0x0] =	sbarrier.arrive $0xFFFF  }
0x1b: {  	[tilespmem:s15], [sflag:$0x3] =	stream.linear.gather [hbm4b:s8+s3], $0x80, $0x38;
	[tilespmem:$0x1E900] =	vst v63  }
0x1c: {  	_ = 	snop  }
0x1d: {  	[tilespmem:s16], [sflag:$0x4] =	stream.linear.gather [hbm4b:s9+s3], $0x80, $0x38;
	[tilespmem:$0x1E900] =	vst v63  }
0x1e: {  	_ = 	snop  }
0x1f: {  	[tilespmem:s18], [sflag:$0x1] =	stream.indirect.gather [hbm4b:s4+s17], $0x80, s3, s17, $0xb8;
	[tilespmem:$0x1E900] =	vst v63  }
0x20: {  	s26 =	simm.s32 $0x80  }
0x21: {  	[tilespmem:s19], [sflag:$0x2] =	stream.indirect.gather [hbm4b:s4+s17], $0x80, s26, s17, $0xb8;
	[tilespmem:$0x1E900] =	vst v63  }
0x22: {  	_ =	swait.ge [sflag:s20], $0x4000  }
0x23: {  	[sflag:s20] =	ssyncset.done $0x0  }
0x24: {  	[sflag:s20] =	ssyncadd.s32 $0xFFFFC000  }
0x25: {  	_ =	swait.ge [sflag:s21], $0x80  }
0x26: {  	[sflag:s21] =	ssyncset.done $0x0  }
0x27: {  	[sflag:s21] =	ssyncadd.s32 $0xFFFFFF80  }
0x28: {  	[spmem:s2] =	stream.indirect.scatter.add.f32 [tilespmem:s18], [sflag:$0x5], $0x80, s15, s17, $0xb8;
	[tilespmem:$0x1E900] =	vst v63  }
0x29: {  	_ =	swait.ge [sflag:s14], $0x4000  }
0x2a: {  	[sflag:s14] =	ssyncset.done $0x0  }
0x2b: {  	s1 =	sadd.s32 $0xFFFFFFF0, s12;
	[sflag:s14] =	ssyncadd.s32 $0xFFFFC000  }
0x2c: {  	[tilespmem:s15], [sflag:$0x3] =	stream.linear.gather [hbm4b:s1+s3], $0x80, $0x38;
	[tilespmem:$0x1E900] =	vst v63  }
0x2d: {  	s31 =	simm.s32 $0x100  }
0x2e: {  	[tilespmem:s18], [sflag:$0x1] =	stream.indirect.gather [hbm4b:s4+s17], $0x80, s31, s17, $0xb8;
	[tilespmem:$0x1E900] =	vst v63  }
0x2f: {  	_ =	swait.ge [sflag:s22], $0x4000  }
0x30: {  	[sflag:s22] =	ssyncset.done $0x0  }
0x31: {  	[sflag:s22] =	ssyncadd.s32 $0xFFFFC000  }
0x32: {  	_ =	swait.ge [sflag:s23], $0x80  }
0x33: {  	[sflag:s23] =	ssyncset.done $0x0  }
0x34: {  	[sflag:s23] =	ssyncadd.s32 $0xFFFFFF80  }
0x35: {  	[spmem:s2] =	stream.indirect.scatter.add.f32 [tilespmem:s19], [sflag:$0x5], $0x80, s16, s17, $0xb8;
	[tilespmem:$0x1E900] =	vst v63  }
0x36: {  	_ =	swait.ge [sflag:s14], $0x4000  }
0x37: {  	s28 =	simm.s32 $0xFFFFDA00;
	s30 =	simm.s32 $0xFFFF6C00;
	[sflag:s14] =	ssyncset.done $0x0  }
0x38: {  	s29 =	smov.u32 s12;
	s26 =	sadd.s32 $0x20, s12;
	[sflag:s14] =	ssyncadd.s32 $0xFFFFC000  }
.LBB2_2:
0x39: {  	[tilespmem:s16], [sflag:$0x4] =	stream.linear.gather [hbm4b:s29+s3], $0x80, $0x38;
	[tilespmem:$0x1E900] =	vst v63  }
0x3a: {  	s31 =	smov.u32 s30;
	s29 =	smov.u32 s26  }
0x3b: {  	s0 =	sadd.s32 $0x400, s30;
	s1 =	sadd.s32 $0x2780, s28;
	s31 =	sshra.s32 s31, $0x2  }
0x3c: {  	[tilespmem:s19], [sflag:$0x2] =	stream.indirect.gather [hbm4b:s4+s17], $0x80, s1, s17, $0xb8;
	[tilespmem:$0x1E900] =	vst v63  }
0x3d: {  	p0 =	sne.s32 s30, $0xFFFFFC00;
	_ =	swait.ge [sflag:s20], $0x4000  }
0x3e: {  	[sflag:s20] =	ssyncset.done $0x0  }
0x3f: {  	[sflag:s20] =	ssyncadd.s32 $0xFFFFC000  }
0x40: {  	_ =	swait.ge [sflag:s21], $0x80  }
0x41: {  	[sflag:s21] =	ssyncset.done $0x0  }
0x42: {  	[sflag:s21] =	ssyncadd.s32 $0xFFFFFF80  }
0x43: {  	[spmem:s2] =	stream.indirect.scatter.add.f32 [tilespmem:s18], [sflag:$0x5], $0x80, s15, s17, $0xb8;
	[tilespmem:$0x1E900] =	vst v63  }
0x44: {  	_ =	swait.ge [sflag:s14], $0x4000  }
0x45: {  	[sflag:s14] =	ssyncset.done $0x0  }
0x46: {  	s1 =	sadd.s32 $0xFFFFFFF0, s26;
	[sflag:s14] =	ssyncadd.s32 $0xFFFFC000  }
0x47: {  	[tilespmem:s15], [sflag:$0x3] =	stream.linear.gather [hbm4b:s1+s3], $0x80, $0x38;
	[tilespmem:$0x1E900] =	vst v63  }
0x48: {  	s1 =	sadd.s32 $0x2800, s28;
	s28 =	smov.u32 s31  }
0x49: {  	[tilespmem:s18], [sflag:$0x1] =	stream.indirect.gather [hbm4b:s4+s17], $0x80, s1, s17, $0xb8;
	[tilespmem:$0x1E900] =	vst v63  }
0x4a: {  	_ =	swait.ge [sflag:s22], $0x4000  }
0x4b: {  	[sflag:s22] =	ssyncset.done $0x0  }
0x4c: {  	[sflag:s22] =	ssyncadd.s32 $0xFFFFC000  }
0x4d: {  	_ =	swait.ge [sflag:s23], $0x80  }
0x4e: {  	[sflag:s23] =	ssyncset.done $0x0  }
.Ltmp0:
0x4f: {  	[sflag:s23] =	ssyncadd.s32 $0xFFFFFF80;
	(pc) =	sbr.rel @p0 .LBB2_2-.Ltmp0, $4  }
0x50: {  	[spmem:s2] =	stream.indirect.scatter.add.f32 [tilespmem:s19], [sflag:$0x5], $0x80, s16, s17, $0xb8;
	[tilespmem:$0x1E900] =	vst v63  }
0x51: {  	_ =	swait.ge [sflag:s14], $0x4000  }
0x52: {  	[sflag:s14] =	ssyncset.done $0x0  }
0x53: {  	s30 =	smov.u32 s0;
	s26 =	sadd.s32 $0x20, s26;
	[sflag:s14] =	ssyncadd.s32 $0xFFFFC000  }
0x54: {  	[tilespmem:s16], [sflag:$0x4] =	stream.linear.gather [hbm4b:s29+s3], $0x80, $0x38;
	[tilespmem:$0x1E900] =	vst v63  }
0x55: {  	s0 =	sadd.s32 $0x2780, s28  }
0x56: {  	[tilespmem:s19], [sflag:$0x2] =	stream.indirect.gather [hbm4b:s4+s17], $0x80, s0, s17, $0xb8;
	[tilespmem:$0x1E900] =	vst v63  }
0x57: {  	_ =	swait.ge [sflag:s20], $0x4000  }
0x58: {  	[sflag:s20] =	ssyncset.done $0x0  }
0x59: {  	[sflag:s20] =	ssyncadd.s32 $0xFFFFC000  }
0x5a: {  	_ =	swait.ge [sflag:s21], $0x80  }
0x5b: {  	[sflag:s21] =	ssyncset.done $0x0  }
0x5c: {  	[sflag:s21] =	ssyncadd.s32 $0xFFFFFF80  }
0x5d: {  	[spmem:s2] =	stream.indirect.scatter.add.f32 [tilespmem:s18], [sflag:$0x5], $0x80, s15, s17, $0xb8;
	[tilespmem:$0x1E900] =	vst v63  }
0x5e: {  	_ =	swait.ge [sflag:s14], $0x4000  }
0x5f: {  	[sflag:s14] =	ssyncset.done $0x0  }
0x60: {  	s30 =	sadd.s32 $0xFFFFFFF0, s26;
	[sflag:s14] =	ssyncadd.s32 $0xFFFFC000  }
0x61: {  	[tilespmem:s15], [sflag:$0x3] =	stream.linear.gather [hbm4b:s30+s3], $0x80, $0x38;
	[tilespmem:$0x1E900] =	vst v63  }
0x62: {  	s31 =	sadd.s32 $0x2800, s28  }
0x63: {  	[tilespmem:s18], [sflag:$0x1] =	stream.indirect.gather [hbm4b:s4+s17], $0x80, s31, s17, $0xb8;
	[tilespmem:$0x1E900] =	vst v63  }
0x64: {  	_ =	swait.ge [sflag:s22], $0x4000  }
0x65: {  	[sflag:s22] =	ssyncset.done $0x0  }
0x66: {  	[sflag:s22] =	ssyncadd.s32 $0xFFFFC000  }
0x67: {  	_ =	swait.ge [sflag:s23], $0x80  }
0x68: {  	[sflag:s23] =	ssyncset.done $0x0  }
0x69: {  	[sflag:s23] =	ssyncadd.s32 $0xFFFFFF80  }
0x6a: {  	[spmem:s2] =	stream.indirect.scatter.add.f32 [tilespmem:s19], [sflag:$0x5], $0x80, s16, s17, $0xb8;
	[tilespmem:$0x1E900] =	vst v63  }
0x6b: {  	_ =	swait.ge [sflag:s14], $0x4000  }
0x6c: {  	[sflag:s14] =	ssyncset.done $0x0  }
0x6d: {  	[sflag:s14] =	ssyncadd.s32 $0xFFFFC000  }
0x6e: {  	[tilespmem:s16], [sflag:$0x4] =	stream.linear.gather [hbm4b:s26+s3], $0x80, $0x38;
	[tilespmem:$0x1E900] =	vst v63  }
0x6f: {  	_ = 	snop  }
0x70: {  	[tilespmem:s19], [sflag:$0x2] =	stream.indirect.gather [hbm4b:s4+s17], $0x80, s24, s17, $0xb8;
	[tilespmem:$0x1E900] =	vst v63  }
0x71: {  	_ =	swait.ge [sflag:s20], $0x4000  }
0x72: {  	[sflag:s20] =	ssyncset.done $0x0  }
0x73: {  	[sflag:s20] =	ssyncadd.s32 $0xFFFFC000  }
0x74: {  	_ =	swait.ge [sflag:s21], $0x80  }
0x75: {  	[sflag:s21] =	ssyncset.done $0x0  }
0x76: {  	[sflag:s21] =	ssyncadd.s32 $0xFFFFFF80  }
0x77: {  	[spmem:s2] =	stream.indirect.scatter.add.f32 [tilespmem:s18], [sflag:$0x5], $0x80, s15, s17, $0xb8;
	[tilespmem:$0x1E900] =	vst v63  }
0x78: {  	_ =	swait.ge [sflag:s14], $0x4000  }
0x79: {  	[sflag:s14] =	ssyncset.done $0x0  }
0x7a: {  	[sflag:s14] =	ssyncadd.s32 $0xFFFFC000  }
0x7b: {  	_ =	swait.ge [sflag:s22], $0x4000  }
0x7c: {  	[sflag:s22] =	ssyncset.done $0x0  }
0x7d: {  	[sflag:s22] =	ssyncadd.s32 $0xFFFFC000  }
0x7e: {  	_ =	swait.ge [sflag:s23], $0x80  }
0x7f: {  	[sflag:s23] =	ssyncset.done $0x0  }
0x80: {  	[sflag:s23] =	ssyncadd.s32 $0xFFFFFF80  }
0x81: {  	[spmem:s2] =	stream.indirect.scatter.add.f32 [tilespmem:s19], [sflag:$0x5], $0x80, s16, s17, $0xb8;
	[tilespmem:$0x1E900] =	vst v63  }
0x82: {  	_ =	swait.ge [sflag:s14], $0x4000  }
0x83: {  	s25 =	sadd.s32 $0x1, s25;
	[sflag:s14] =	ssyncset.done $0x0  }
0x84: {  	p0 =	sne.s32 s25, s11;
	[sflag:s14] =	ssyncadd.s32 $0xFFFFC000  }
.Ltmp1:
0x85: {  	[bflag:$0x0] =	sbarrier.arrive $0xFFFF;
	(pc) =	sbr.rel @p0 .LBB2_1-.Ltmp1, $4  }
0x86: {  	[hbm:s10], [sflag:s6] =	dma.local [spmem:s13], $0x2800  }
0x87: {  	_ =	swait.ge [sflag:s14], $0x2800  }
0x88: {  	[sflag:s14] =	ssyncset.done $0x0  }
0x89: {  	[sflag:s14] =	ssyncadd.s32 $0xFFFFD800  }
0x8a: {  	_ =	sfence.sel $0x180000  }
0x8b: {  	[bflag:$0x0] =	sbarrier.arrive $0xFFFF  }
0x8c: {  	_ =	strace $0x9000004D  }
0x8d: {  	s0 =	stileid.u32;
	[bflag:$0x2] =	sbarrier.arrive $0xFFFF  }
0x8e: {  	p0 =	sne.s32 s0, $0x0;
	s0 =	rddreg [dreg:$0x2]  }
0x8f: {  	s0 =	sadd.s32 @!p0 $0x100000, s0  }
0x90: {  	[sflag:s0] =	ssyncadd.tile.s32 @!p0 $0x1;
	_ =	shalt  }
.Lfunc_end2:
_tile_overlayer_lowered:
.L_overlay_start_2:
0x91: {  	(tag) =	ssettag $0x2  }
0x92: {  	s0 =	rddreg [dreg:$0x0];
	s2 =	stileid.u32  }
0x93: {  	s1 =	rddreg [dreg:$0x1];
	p0 =	sne.s32 s2, $0x0  }
0x94: {  	s3 =	rddreg [dreg:$0x2];
	[bflag:$0x3] =	sbarrier.arrive $0xFFFF;
	s2 =	simm.s32 @!p0 $0x1C05  }
0x95: {  	[timem:s3], [sflag:s2] =	dma.local @!p0 [hbm:s0], s1  }
0x96: {  	s0 =	simm.s32 @!p0 $0x5  }
0x97: {  	_ =	swait.ge @!p0 [sflag:s0], s1  }
0x98: {  	s1 =	ssub.s32 @!p0 $0x0, s1;
	[sflag:s0] =	ssyncset.done @!p0 $0x0  }
0x99: {  	[sflag:s0] =	ssyncadd.s32 @!p0 s1  }
0x9a: {  	[bflag:$0x3] =	sbarrier.arrive $0xFFFF  }
0x9b: {  	_ =	shalt  }

// kernel: kernel.8.cloned.1.call-start
scs
__scs_entry_jumppad:
0x0: {  	(pc) =	sbr.rel $0x88, $3  }
0x1: {  	(tag) =	ssettag $0x0;
	lr =	simm.s32 $0x1  }
0x2: {  	[smem:$0x3F94] =	sst lr;
	_ =	strace $0xD0000000  }
0x3: {  	_ = 	snop  }
0x4: {  	_ = 	snop  }
0x5: {  	_ = 	snop  }
0x6: {  	_ = 	snop  }
0x7: {  	_ = 	snop  }
__scs_overlays_trampoline_lowered:
0x8: {  	[smem:$0x3FA3] =	sst s0  }
0x9: {  	[smem:$0x3FA4] =	sst s1  }
0xa: {  	[smem:$0x3FA5] =	sst s2  }
0xb: {  	[smem:$0x3FA6] =	sst s3  }
0xc: {  	[smem:$0x3FA7] =	sst s4  }
0xd: {  	[smem:$0x3FA8] =	sst s5  }
0xe: {  	[smem:$0x3FA9] =	sst s6  }
0xf: {  	[smem:$0x3FAA] =	sst s7  }
0x10: {  	[smem:$0x3FAB] =	sst s8  }
0x11: {  	[smem:$0x3FAC] =	sst s9;
	s0 =	simm.s32 @!p0 $0x0  }
0x12: {  	s1 =	sld [smem:$0x3F92];
	s0 =	simm.s32 @p0 $0x1  }
0x13: {  	[smem:$0x3FAD] =	sst s0;
	s0 =	simm.s32 @!p1 $0x0  }
0x14: {  	s2 =	sld [smem:$0x3F91];
	s0 =	simm.s32 @p1 $0x1  }
0x15: {  	[smem:$0x3FAE] =	sst s0;
	s0 =	simm.s32 @!p2 $0x0  }
0x16: {  	s3 =	sld [smem:$0x3FDB];
	s0 =	simm.s32 @p2 $0x1  }
0x17: {  	s4 =	simm.s32 $0x1BF5;
	[smem:$0x3FB0] =	sst s0  }
0x18: {  	s0 =	sld [smem:$0x3F93];
	_ =	swait.ge [sflag:s4], $0x0  }
0x19: {  	s7 =	sld [smem:$0x3F94]  }
0x1a: {  	s8 =	sadd.s32 $0xFFFFE003, lr  }
0x1b: {  	s9 =	sadd.s32 $0xFFFFFEF7, lr;
	s5 =	simm.s32 $0xFFFFFFFF;
	p2 =	slt.u32 s8, $0xFFFFF086  }
0x1c: {  	p1 =	slt.u32 s9, $0xF7A;
	s5 =	simm.s32 @!p2 $0x0  }
0x1d: {  	s5 =	simm.s32 @p1 $0x1;
	p0 =	seq.s32 s7, s2  }
0x1e: {  	s7 =	smul.u32 @!p0 $0xF7A, s2;
	p2 =	seq.s32 @!p0 s5, $0x0  }
0x1f: {  	s9 =	smul.u32 $0xF7A, s1;
	s8 =	simm.s32 @!p0 $0x1BF5;
	p2 =	por !p2, p0  }
0x20: {  	[sflag:s8] =	ssyncset.s32 @!p0 $0xFFFFF086;
	s6 =	sadd.s32 @!p0 s3, s7;
	s7 =	simm.s32 @!p0 $0x108  }
0x21: {  	s3 =	sadd.s32 s3, s9;
	s6 =	sadd.s32 @!p0 $0x88, s6;
	s7 =	simm.s32 @p2 $0x1082  }
0x22: {  	[simem:s7], [sflag:s8] =	dma.local @!p0 [hbm:s6], $0xF7A  }
0x23: {  	s9 =	sor.u32 $0xD0000000, s2;
	s6 =	simm.s32 $0x108;
	_ =	swait.ge @!p0 [sflag:s8], $0x0  }
0x24: {  	s3 =	sadd.s32 $0x88, s3;
	s6 =	simm.s32 @!p1 $0x1082;
	[sflag:s4] =	ssyncset.s32 $0xFFFFF086  }
0x25: {  	[simem:s6], [sflag:s4] =	dma.local [hbm:s3], $0xF7A  }
0x26: {  	[smem:$0x3F94] =	sst s1;
	(tag) =	ssettag s2;
	_ =	strace s9  }
0x27: {  	s1 =	sld [smem:$0x3FA4]  }
0x28: {  	s2 =	sld [smem:$0x3FA5]  }
0x29: {  	s4 =	sld [smem:$0x3FA7]  }
0x2a: {  	p0 =	seq.s32 s5, $0x0;
	s5 =	sld [smem:$0x3FA8]  }
0x2b: {  	s6 =	sld [smem:$0x3FA9]  }
0x2c: {  	s7 =	sld [smem:$0x3FAA]  }
0x2d: {  	s3 =	simm.s32 $0x108;
	s8 =	sld [smem:$0x3FAB]  }
0x2e: {  	s3 =	simm.s32 @!p0 $0x1082;
	s9 =	sld [smem:$0x3FAC]  }
0x2f: {  	lr =	sadd.s32 s0, s3;
	s0 =	sld [smem:$0x3FA3]  }
0x30: {  	s3 =	sld [smem:$0x3FA6]  }
0x31: {  	[smem:$0x3FAF] =	sst s10  }
0x32: {  	s10 =	sld [smem:$0x3FAD];
	_ =	sdelay $0x3  }
0x33: {  	p0 =	seq.s32 s10, $0x1;
	s10 =	sld [smem:$0x3FAF];
	_ =	sdelay $0x3  }
0x34: {  	[smem:$0x3FAF] =	sst s10  }
0x35: {  	s10 =	sld [smem:$0x3FAE];
	_ =	sdelay $0x3  }
0x36: {  	p1 =	seq.s32 s10, $0x1;
	s10 =	sld [smem:$0x3FAF];
	_ =	sdelay $0x3  }
0x37: {  	[smem:$0x3FAF] =	sst s10  }
0x38: {  	s10 =	sld [smem:$0x3FB0]  }
0x39: {  	_ = 	snop;
	(pc) =	sbr.ind lr, $3  }
0x3a: {  	_ = 	snop  }
0x3b: {  	_ = 	snop  }
0x3c: {  	p2 =	seq.s32 s10, $0x1;
	s10 =	sld [smem:$0x3FAF]  }
0x3d: {  	_ =	shalt  }
0x3e: {  	_ =	shalt  }
0x3f: {  	_ =	shalt  }
0x40: {  	_ =	shalt  }
0x41: {  	_ =	shalt  }
0x42: {  	_ =	shalt  }
0x43: {  	_ =	shalt  }
0x44: {  	_ =	shalt  }
0x45: {  	_ =	shalt  }
0x46: {  	_ =	shalt  }
0x47: {  	_ =	shalt  }
0x48: {  	_ =	shalt  }
0x49: {  	_ =	shalt  }
0x4a: {  	_ =	shalt  }
0x4b: {  	_ =	shalt  }
0x4c: {  	_ =	shalt  }
0x4d: {  	_ =	shalt  }
0x4e: {  	_ =	shalt  }
0x4f: {  	_ =	shalt  }
0x50: {  	_ =	shalt  }
0x51: {  	_ =	shalt  }
0x52: {  	_ =	shalt  }
0x53: {  	_ =	shalt  }
0x54: {  	_ =	shalt  }
0x55: {  	_ =	shalt  }
0x56: {  	_ =	shalt  }
0x57: {  	_ =	shalt  }
0x58: {  	_ =	shalt  }
0x59: {  	_ =	shalt  }
0x5a: {  	_ =	shalt  }
0x5b: {  	_ =	shalt  }
0x5c: {  	_ =	shalt  }
0x5d: {  	_ =	shalt  }
0x5e: {  	_ =	shalt  }
0x5f: {  	_ =	shalt  }
0x60: {  	_ =	shalt  }
0x61: {  	_ =	shalt  }
0x62: {  	_ =	shalt  }
0x63: {  	_ =	shalt  }
0x64: {  	_ =	shalt  }
0x65: {  	_ =	shalt  }
0x66: {  	_ =	shalt  }
0x67: {  	_ =	shalt  }
0x68: {  	_ =	shalt  }
0x69: {  	_ =	shalt  }
0x6a: {  	_ =	shalt  }
0x6b: {  	_ =	shalt  }
0x6c: {  	_ =	shalt  }
0x6d: {  	_ =	shalt  }
0x6e: {  	_ =	shalt  }
0x6f: {  	_ =	shalt  }
0x70: {  	_ =	shalt  }
0x71: {  	_ =	shalt  }
0x72: {  	_ =	shalt  }
0x73: {  	_ =	shalt  }
0x74: {  	_ =	shalt  }
0x75: {  	_ =	shalt  }
0x76: {  	_ =	shalt  }
0x77: {  	_ =	shalt  }
0x78: {  	_ =	shalt  }
0x79: {  	_ =	shalt  }
0x7a: {  	_ =	shalt  }
0x7b: {  	_ =	shalt  }
0x7c: {  	_ =	shalt  }
0x7d: {  	_ =	shalt  }
0x7e: {  	_ =	shalt  }
0x7f: {  	_ =	shalt  }
0x80: {  	_ =	shalt  }
0x81: {  	_ =	shalt  }
0x82: {  	_ =	shalt  }
0x83: {  	_ =	shalt  }
0x84: {  	_ =	shalt  }
0x85: {  	_ =	shalt  }
0x86: {  	_ =	shalt  }
0x87: {  	_ =	shalt  }
.Lfunc_end0:
.L_simem_size_0:
called_computation_lowered:
.L_overlay_start_0:
0x88: {  	s2 =	sld [smem:$0x3FD9]  }
0x89: {  	s3 =	sld [smem:$0x3FFE];
	_ =	sdelay $0x1  }
0x8a: {  	s1 =	srdreg.scid  }
0x8b: {  	s0 =	sand.u32 $0x1, s1  }
0x8c: {  	s16 =	sshll.u32 s0, $0xA;
	s2 =	sadd.s32 s3, s2  }
0x8d: {  	s2 =	sadd.s32 s2, s16  }
0x8e: {  	[smem:$0x3FBB] =	sst s2  }
0x8f: {  	_ = 	snop  }
0x90: {  	(tm) =	ssettm $0x1  }
0x91: {  	s17 =	sld [smem:$0x3FFB];
	_ =	sdelay $0x3  }
0x92: {  	_ =	strace s17  }
0x93: {  	s2 =	sld [smem:$0x3FFC];
	_ =	sdelay $0x3  }
0x94: {  	_ =	strace s2  }
0x95: {  	s2 =	sld [smem:$0x3FFD];
	_ =	sdelay $0x3  }
0x96: {  	_ =	strace s2  }
0x97: {  	_ =	strace $0x8FFFFFFF  }
0x98: {  	s18 =	sld [smem:$0x3FDB];
	_ =	sdelay $0x1  }
0x99: {  	s19 =	simm.s32 $_scs_section_size  }
0x9a: {  	s4 =	simm.s32 $_size__tile_overlayer_lowered;
	s5 =	simm.s32 $_tile_overlayer_lowered  }
0x9b: {  	s22 =	simm.s32 $0x1BFF;
	s21 =	sshll.u32 s5, $0x1;
	s2 =	sadd.s32 s19, s18  }
0x9c: {  	s6 =	simm.s32 $0x0;
	s20 =	sshll.u32 s4, $0x1;
	s4 =	sadd.s32 s21, s2  }
0x9d: {  	[timem:s6], [sflag:s22] =	dma.local [hbm:s4], s20  }
0x9e: {  	_ =	swait.ge [sflag:s22], s20  }
0x9f: {  	s3 =	ssub.s32 $0x0, s20;
	[sflag:s22] =	ssyncset.done $0x0  }
0xa0: {  	[sflag:s22] =	ssyncadd.s32 s3;
	_ =	sdelay $0x1  }
0xa1: {  	s23 =	simm.s32 $0x1B8B  }
0xa2: {  	_ =	swait.ge [sflag:s23], $0x1  }
0xa3: {  	[sflag:s23] =	ssyncset.done $0x0  }
0xa4: {  	s25 =	simm.s32 $0x1B8E;
	s24 =	sld [smem:$0x3FFE];
	[sflag:s23] =	ssyncadd.s32 $0xFFFFFFFF  }
0xa5: {  	s26 =	simm.s32 $execute0_lowered;
	[smem:$0x3FD2] =	sst s25  }
0xa6: {  	s4 =	sshll.u32 s26, $0x1;
	_ =	strace $0x80000046;
	[dreg:$0x1] =	wrdreg $0xFFFFFFFF  }
0xa7: {  	s28 =	simm.s32 $_size_execute0_lowered;
	s2 =	sadd.s32 s2, s4;
	[dreg:$0x0] =	wrdreg $0x0  }
0xa8: {  	s4 =	sshll.u32 s28, $0x1;
	[dreg:$0x2] =	wrdreg s2  }
0xa9: {  	[dreg:$0x3] =	wrdreg s4  }
0xaa: {  	[dreg:$0x4] =	wrdreg $0xC0  }
0xab: {  	_ =	task [dreg:s6], $0x5FFFF  }
0xac: {  	[dreg:$0x1] =	wrdreg $0xFFFFFFFF  }
0xad: {  	[dreg:$0x0] =	wrdreg $0x60  }
0xae: {  	[dreg:$0x2] =	wrdreg s24  }
0xaf: {  	[dreg:$0x3] =	wrdreg $0x68000  }
0xb0: {  	[dreg:$0x4] =	wrdreg $0x9  }
0xb1: {  	_ =	task.clear_ibuf [dreg:s6], $0x5FFFF;
	_ =	strace $0x90000046  }
0xb2: {  	s29 =	simm.s32 $0x9;
	_ =	strace $0x80000048  }
0xb3: {  	_ =	swait.ge [sflag:s29], $0x1  }
0xb4: {  	[sflag:s29] =	ssyncadd.s32 $0xFFFFFFFF  }
0xb5: {  	_ =	strace $0x90000048  }
0xb6: {  	_ =	sfence  }
0xb7: {  	s30 =	sld [smem:$0x0];
	_ =	sdelay $0x2  }
0xb8: {  	s31 =	sshll.u32 s1, $0xD;
	s1 =	sshrl.u32 s1, $0x2  }
0xb9: {  	s3 =	sand.u32 $0x4000, s31;
	s1 =	sadd.s32 s1, s30  }
0xba: {  	s0 =	sor.u32 s3, s0;
	s1 =	sshll.u32 s1, $0x11  }
0xbb: {  	s0 =	sor.u32 s1, s0  }
0xbc: {  	s0 =	sadd.s32 $0x8F2B, s0  }
0xbd: {  	[sflag:s0] =	ssyncadd.remote.s32 $0x1  }
0xbe: {  	_ =	sfence.sel $0xFFFF  }
0xbf: {  	[dreg:$0x0] =	wrdreg $0xFFFFFFFF;
	(pc) =	sbr.abs _section_cstart, $3  }
0xc0: {  	[dreg:$0x1] =	wrdreg $0xFFFFFFFF  }
0xc1: {  	_ =	task.clear_ibuf [dreg:s6], $0x2FFFF;
	_ =	strace $0x9FFFFFFF  }
0xc2: {  	(tm) =	ssettm $0x7FFFFFFF  }
0xc3: {  	_ =	shalt  }
tec
execute0_lowered:
.L_overlay_start_1:
0x0: {  	(tag) =	ssettag $0x1  }
0x1: {  	s1 =	srdreg.scid  }
0x2: {  	s0 =	stileid.u32;
	s7 =	rddreg [dreg:$0x0]  }
0x3: {  	s2 =	rddreg [dreg:$0x1];
	s3 =	simm.s32 $0x0;
	s12 =	simm.s32 $0x2800  }
0x4: {  	s13 =	simm.s32 $0x80;
	s14 =	simm.s32 $0x0;
	s8 =	smul.u32 $0x14000, s0  }
0x5: {  	s6 =	sand.u32 $0x1, s1;
	s29 =	sshll.u32 s0, $0x1;
	s10 =	smul.u32 $0x50000, s0  }
0x6: {  	[smem:$0x7FF] =	sst s3;
	s1 =	sor.u32 s6, s29;
	s5 =	smul.u32 $0x140000, s6  }
0x7: {  	s31 =	sshll.u32 s0, $0x6;
	s6 =	ssub.s32 $0x2, s6;
	s4 =	smul.u32 $0x500, s1  }
0x8: {  	s1 =	rddreg [dreg:$0x2];
	_ =	strace $0x80000047;
	s30 =	sshrl.u32 s6, $0x1  }
0x9: {  	s10 =	sshrl.u32 s10, $0x2;
	s8 =	sadd.s32 s8, s5;
	s5 =	sadd.s32 $0x10000, s7  }
0xa: {  	s11 =	ssub.s32 s6, s30;
	s10 =	sadd.s32 s10, s2;
	s6 =	sor.u32 $0x1C01, s31  }
0xb: {  	s9 =	sadd.s32 s4, s7;
	s4 =	sadd.s32 $0xD800, s7;
	s8 =	sshrl.u32 s8, $0x3  }
0xc: {  	s10 =	sshrl.u32 s10, $0x3;
	s8 =	sadd.s32 s8, s7;
	s7 =	sadd.s32 $0x3200, s9  }
0xd: {  	s9 =	smax.u32 s11, $0x1;
	s11 =	simm.s32 $0x1;
	s8 =	sadd.s32 $0x10800, s8  }
.LBB2_1:
0xe: {  	[spmem:s10], [sflag:s6] =	dma.local [hbm:s4], $0x2800  }
0xf: {  	_ =	swait.ge [sflag:s11], $0x2800  }
0x10: {  	[sflag:s11] =	ssyncset.done $0x0  }
0x11: {  	[sflag:s11] =	ssyncadd.s32 $0xFFFFD800  }
0x12: {  	[tilespmem:s12], [sflag:$0x1] =	stream.linear.gather [hbm4b:s5+s3], $0x4000, $0x38;
	[tilespmem:$0x1A800] =	vst v63  }
0x13: {  	_ =	swait.ge [sflag:s11], $0x4000  }
0x14: {  	[sflag:s11] =	ssyncset.done $0x0  }
0x15: {  	[sflag:s11] =	ssyncadd.s32 $0xFFFFC000  }
0x16: {  	[tilespmem:s3], [sflag:$0x1] =	stream.linear.gather [hbm4b:s7+s3], $0x2800, $0x38;
	[tilespmem:$0x1A800] =	vst v63  }
0x17: {  	_ =	swait.ge [sflag:s11], $0x2800  }
0x18: {  	[sflag:s11] =	ssyncset.done $0x0  }
0x19: {  	[sflag:s11] =	ssyncadd.s32 $0xFFFFD800  }
0x1a: {  	s15 =	simm.s32 $0x0;
	[bflag:$0x0] =	sbarrier.arrive $0xFFFF  }
0x1b: {  	[spmem:s2] =	stream.indirect.scatter.add.f32 [tilespmem:s12], [sflag:$0x1], $0x80, s15, s13, $0xb8;
	[tilespmem:$0x1A800] =	vst v63  }
0x1c: {  	_ =	swait.ge [sflag:s11], $0x4000  }
0x1d: {  	s15 =	simm.s32 $0x200;
	[sflag:s11] =	ssyncset.done $0x0  }
.LBB2_2:
0x1e: {  	s16 =	sshra.s32 s15, $0x2;
	[sflag:s11] =	ssyncadd.s32 $0xFFFFC000;
	p0 =	sne.s32 s15, $0x9E00  }
0x1f: {  	[spmem:s2] =	stream.indirect.scatter.add.f32 [tilespmem:s12], [sflag:$0x1], $0x80, s16, s13, $0xb8;
	[tilespmem:$0x1A800] =	vst v63  }
.Ltmp0:
0x20: {  	_ = 	snop;
	(pc) =	sbr.rel @p0 .LBB2_2-.Ltmp0, $4  }
0x21: {  	_ = 	snop  }
0x22: {  	s15 =	sadd.s32 $0x200, s15  }
0x23: {  	_ =	swait.ge [sflag:s11], $0x4000  }
0x24: {  	[sflag:s11] =	ssyncset.done $0x0  }
0x25: {  	s14 =	sadd.s32 $0x1, s14  }
0x26: {  	[sflag:s11] =	ssyncadd.s32 $0xFFFFC000;
	p0 =	sne.s32 s14, s9  }
.Ltmp1:
0x27: {  	[bflag:$0x0] =	sbarrier.arrive $0xFFFF;
	(pc) =	sbr.rel @p0 .LBB2_1-.Ltmp1, $4  }
0x28: {  	[hbm:s8], [sflag:s6] =	dma.local [spmem:s10], $0x2800  }
0x29: {  	_ =	swait.ge [sflag:s11], $0x2800  }
0x2a: {  	[sflag:s11] =	ssyncset.done $0x0  }
0x2b: {  	[sflag:s11] =	ssyncadd.s32 $0xFFFFD800  }
0x2c: {  	_ =	sfence.sel $0x180000  }
0x2d: {  	[bflag:$0x0] =	sbarrier.arrive $0xFFFF  }
0x2e: {  	p0 =	sne.s32 s0, $0x0;
	_ =	strace $0x90000047  }
0x2f: {  	s0 =	sadd.s32 @!p0 $0x100000, s1;
	[bflag:$0x2] =	sbarrier.arrive $0xFFFF  }
0x30: {  	[sflag:s0] =	ssyncadd.tile.s32 @!p0 $0x1;
	_ =	shalt  }
.Lfunc_end2:
_tile_overlayer_lowered:
.L_overlay_start_2:
0x31: {  	(tag) =	ssettag $0x2  }
0x32: {  	s0 =	rddreg [dreg:$0x0];
	s2 =	stileid.u32  }
0x33: {  	s1 =	rddreg [dreg:$0x1];
	p0 =	sne.s32 s2, $0x0  }
0x34: {  	s3 =	rddreg [dreg:$0x2];
	[bflag:$0x3] =	sbarrier.arrive $0xFFFF;
	s2 =	simm.s32 @!p0 $0x1C01  }
0x35: {  	[timem:s3], [sflag:s2] =	dma.local @!p0 [hbm:s0], s1  }
0x36: {  	s0 =	simm.s32 @!p0 $0x1  }
0x37: {  	_ =	swait.ge @!p0 [sflag:s0], s1  }
0x38: {  	s1 =	ssub.s32 @!p0 $0x0, s1;
	[sflag:s0] =	ssyncset.done @!p0 $0x0  }
0x39: {  	[sflag:s0] =	ssyncadd.s32 @!p0 s1  }
0x3a: {  	[bflag:$0x3] =	sbarrier.arrive $0xFFFF  }
0x3b: {  	_ =	shalt  }

</sc_bundles>
